<compile_context>
chip_gen: v7x
topology: tpu7x:2x2x1
jax: 0.10.2.dev20260603
libtpu: 0.0.44.dev20260713+nightly
codegen_flags: <defaults>
</compile_context>

<pallas_src>
import functools

import jax
import jax.numpy as jnp
from jax import lax
from jax.experimental import pallas as pl
from jax.experimental.pallas import tpu as pltpu
from jax.experimental.pallas import tpu_sc as plsc

N = 10000
NP = 10240
D = 128
E = 320000
NC = 2
NS = 16
NW = NC * NS
EPW = E // NW
KP = 128
CHP = 80
EP = KP * CHP
NQ = 4
QR = NP // NQ
QT = QR // NS
ACC = QR + 128
EPT = E // NS
CH2 = 160
EP2 = CH2 * KP
HRT = NP // NS


def _sc_hist_body(dst_hbm, out_hbm, dst_v, ones_v, zbuf_v, hist_sh):
    c = lax.axis_index("c")
    s = lax.axis_index("s")
    wid = c * NS + s

    def fill_ones(i, t):
        ones_v[pl.ds(i * 16, 16)] = jnp.ones((16,), jnp.float32)
        return t

    lax.fori_loop(0, KP // 16, fill_ones, 0)

    def fill_zero(i, t):
        zbuf_v[pl.ds(i * 16, 16)] = jnp.zeros((16,), jnp.float32)
        return t

    lax.fori_loop(0, HRT // 16, fill_zero, 0)

    hbase = pl.multiple_of(s * HRT, 8)
    pltpu.sync_copy(dst_hbm.at[wid], dst_v)
    pltpu.sync_copy(zbuf_v, hist_sh.at[pl.ds(hbase, HRT)])
    plsc.subcore_barrier()

    def chunk(i, t):
        pltpu.sync_copy(ones_v, hist_sh.at[dst_v.at[i]], add=True)
        return t

    lax.fori_loop(0, CHP, chunk, 0)
    plsc.subcore_barrier()

    pltpu.sync_copy(hist_sh.at[pl.ds(hbase, HRT)], zbuf_v)
    pltpu.sync_copy(zbuf_v, out_hbm.at[c, s, 0])


def _sc_agg_body(h_hbm, src_hbm, dstq_hbm, out_hbm, src_v, dst_v,
                 rows_v, buf_v, rbuf_v, acc_sh, sem):
    c = lax.axis_index("c")
    s = lax.axis_index("s")

    def zrow(i, t):
        def zcol(j, u):
            buf_v[i, pl.ds(j * 16, 16)] = jnp.zeros((16,), jnp.float32)
            return u

        return lax.fori_loop(0, D // 16, zcol, t)

    lax.fori_loop(0, QT, zrow, 0)

    abase = pl.multiple_of(s * QT, 8)
    pltpu.sync_copy(src_hbm.at[s], src_v)

    for p in range(NQ // NC):
        qbase = pl.multiple_of(jnp.int32(2 * p * QR) + c * QR, QR)
        obase = pl.multiple_of(qbase + s * QT, 8)
        pltpu.sync_copy(dstq_hbm.at[p, c, s], dst_v)
        pltpu.sync_copy(buf_v, acc_sh.at[pl.ds(abase, QT)])
        plsc.subcore_barrier()

        def chunk(i, t):
            pltpu.async_copy(h_hbm.at[src_v.at[i]], rows_v, sem).wait()
            pltpu.sync_copy(rows_v, acc_sh.at[dst_v.at[i]], add=True)
            return t

        lax.fori_loop(0, CH2, chunk, 0)
        plsc.subcore_barrier()

        pltpu.sync_copy(acc_sh.at[pl.ds(abase, QT)], rbuf_v)
        pltpu.sync_copy(rbuf_v, out_hbm.at[pl.ds(obase, QT)])
        plsc.subcore_barrier()


@functools.cache
def _build_sc_kernels():
    mesh = plsc.VectorSubcoreMesh(core_axis_name="c", subcore_axis_name="s")
    sc_hist = functools.partial(
        pl.kernel,
        mesh=mesh,
        out_type=jax.ShapeDtypeStruct((NC, NS, 1, HRT), jnp.float32),
        scratch_types=[
            pltpu.VMEM((CHP, KP), jnp.int32),
            pltpu.VMEM((KP,), jnp.float32),
            pltpu.VMEM((HRT,), jnp.float32),
            pltpu.VMEM_SHARED((NP,), jnp.float32),
        ],
    )(_sc_hist_body)
    sc_agg = functools.partial(
        pl.kernel,
        mesh=mesh,
        out_type=jax.ShapeDtypeStruct((NP, D), jnp.float32),
        scratch_types=[
            pltpu.VMEM((CH2, KP), jnp.int32),
            pltpu.VMEM((CH2, KP), jnp.int32),
            pltpu.VMEM((KP, D), jnp.float32),
            pltpu.VMEM((QT, D), jnp.float32),
            pltpu.VMEM((QT, D), jnp.float32),
            pltpu.VMEM_SHARED((ACC, D), jnp.float32),
            pltpu.SemaphoreType.DMA,
        ],
    )(_sc_agg_body)
    return sc_hist, sc_agg


def _tc_pre_body(x_ref, w_ref, hist_ref, hp_ref, dis_ref):
    hist = jnp.squeeze(hist_ref[...], axis=2)
    deg = hist[0] + hist[1] + 1.0
    dis3 = lax.rsqrt(deg)[:, :, None]
    dis = jnp.broadcast_to(dis3, (NS, HRT, D)).reshape(NP, D)
    h = jnp.dot(x_ref[...], w_ref[...], preferred_element_type=jnp.float32)
    hp_ref[...] = h * dis
    dis_ref[...] = dis


_pre_call = pl.pallas_call(
    _tc_pre_body,
    out_shape=(jax.ShapeDtypeStruct((NP, D), jnp.float32),
               jax.ShapeDtypeStruct((NP, D), jnp.float32)),
)


def _tc_mid_body(p_ref, hp_ref, dis_ref, b_ref, w_ref, out_ref):
    z = jnp.maximum(
        (p_ref[...] + hp_ref[...]) * dis_ref[...] + b_ref[...], 0.0)
    out_ref[...] = (jnp.dot(z, w_ref[...], preferred_element_type=jnp.float32)
                    * dis_ref[...])


_mid_call = pl.pallas_call(
    _tc_mid_body,
    out_shape=jax.ShapeDtypeStruct((NP, D), jnp.float32),
)


def _tc_post_body(p_ref, hp_ref, dis_ref, b_ref, out_ref):
    out_ref[...] = jnp.maximum(
        (p_ref[...] + hp_ref[...]) * dis_ref[...] + b_ref[...], 0.0)


_post_call = pl.pallas_call(
    _tc_post_body,
    out_shape=jax.ShapeDtypeStruct((NP, D), jnp.float32),
)


def _pad_worker_lists(ei):
    src_w = ei[0].reshape(NW, EPW)
    dst_w = ei[1].reshape(NW, EPW)
    pad_d = jnp.full((NW, EP - EPW), NP - 1, jnp.int32)
    dst3h = jnp.concatenate([dst_w, pad_d], axis=1).reshape(NW, CHP, KP)

    src_t = ei[0].reshape(NS, EPT)
    dst_t = ei[1].reshape(NS, EPT)
    pad_s2 = jnp.zeros((NS, EP2 - EPT), jnp.int32)
    pad_d2 = jnp.full((NS, EP2 - EPT), NP, jnp.int32)
    src2 = jnp.concatenate([src_t, pad_s2], axis=1).reshape(NS, CH2, KP)
    dst2 = jnp.concatenate([dst_t, pad_d2], axis=1)
    trash = QR + (jnp.arange(EP2, dtype=jnp.int32) % 128)[None, :]
    def _loc(p, c):
        loc = dst2 - (2 * p + c) * QR
        ok = (loc >= 0) & (loc < QR)
        return jnp.where(ok, loc, trash).reshape(NS, CH2, KP)
    dstq = jnp.stack(
        [jnp.stack([_loc(p, c) for c in range(NC)])
         for p in range(NQ // NC)])
    return dst3h, src2, dstq


def kernel(x, edge_index, W1, b1, W2, b2, W3, b3):
    ei = edge_index.astype(jnp.int32)
    dst3h, src2, dstq = _pad_worker_lists(ei)
    xp = jnp.pad(x, ((0, NP - N), (0, 0)))
    _sc_hist, _sc_agg = _build_sc_kernels()
    hist = _sc_hist(dst3h)
    hp1, dis = _pre_call(xp, W1, hist)
    p1 = _sc_agg(hp1, src2, dstq)
    hp2 = _mid_call(p1, hp1, dis, b1.reshape(1, D), W2)
    p2 = _sc_agg(hp2, src2, dstq)
    hp3 = _mid_call(p2, hp2, dis, b2.reshape(1, D), W3)
    p3 = _sc_agg(hp3, src2, dstq)
    return _post_call(p3, hp3, dis, b3.reshape(1, D))[:N]

# --- scband reference (transcript-rebuilt; emitter-appended) ---
"""Pipeline reference for scband-gnn-6442450944201 (READ-ONLY COPY).

The authoritative reference and input builder live on the scoring server;
editing this copy changes nothing except your own understanding.
"""

import jax, jax.numpy as jnp
import numpy as np

N_NODES = 10000
D_IN = 128
D_HID = 128
D_OUT = 128
N_EDGES = 320000


def _gcn_conv(x, edge_index, W, b):
    num_nodes = x.shape[0]
    src = edge_index[0]
    dst = edge_index[1]
    # add self loops (GCNConv default)
    loop = jnp.arange(num_nodes, dtype=edge_index.dtype)
    src = jnp.concatenate([src, loop])
    dst = jnp.concatenate([dst, loop])
    # symmetric normalization D^{-1/2} A_hat D^{-1/2}
    deg = jnp.zeros((num_nodes,), dtype=x.dtype).at[dst].add(1.0)
    deg_inv_sqrt = jnp.where(deg > 0, 1.0 / jnp.sqrt(deg), 0.0)
    norm = deg_inv_sqrt[src] * deg_inv_sqrt[dst]
    # linear transform then gather-scatter aggregation
    h = x @ W
    msg = h[src] * norm[:, None]
    out = jnp.zeros((num_nodes, W.shape[1]), dtype=x.dtype).at[dst].add(msg)
    return out + b


def setup_inputs(seed: int = 0) -> dict:
    key = jax.random.key(seed)
    k_x, k_e, k1, k2, k3 = jax.random.split(key, 5)
    x = jax.random.normal(k_x, (N_NODES, D_IN), dtype=jnp.float32)
    edge_index = jax.random.randint(k_e, (2, N_EDGES), 0, N_NODES, dtype=jnp.int64)
    # glorot-style init for GCN weights
    def glorot(k, fan_in, fan_out):
        s = np.sqrt(6.0 / (fan_in + fan_out))
        return jax.random.uniform(k, (fan_in, fan_out), dtype=jnp.float32, minval=-s, maxval=s)
    W1 = glorot(k1, D_IN, D_HID)
    b1 = jnp.zeros((D_HID,), dtype=jnp.float32)
    W2 = glorot(k2, D_HID, D_HID)
    b2 = jnp.zeros((D_HID,), dtype=jnp.float32)
    W3 = glorot(k3, D_HID, D_OUT)
    b3 = jnp.zeros((D_OUT,), dtype=jnp.float32)
    return {"x": x, "edge_index": edge_index, "W1": W1, "b1": b1, "W2": W2, "b2": b2, "W3": W3, "b3": b3}


def reference(x, edge_index, W1, b1, W2, b2, W3, b3):
    h = _gcn_conv(x, edge_index, W1, b1)
    h = jax.nn.relu(h)
    h = _gcn_conv(h, edge_index, W2, b2)
    h = jax.nn.relu(h)
    h = _gcn_conv(h, edge_index, W3, b3)
    h = jax.nn.relu(h)
    return h

if __name__ == "__main__":
    import jax
    _d = setup_inputs()
    print(jax.jit(kernel)(*tuple(_d.values())))

</pallas_src>

<mosaic_0001>
#map = affine_map<(d0, d1) -> (0, 0, 0)>
#map1 = affine_map<(d0, d1) -> (0, 0, 0, 0)>
module attributes {stable_mosaic.version = 14 : i64} {
  func.func @_sc_hist_body(%arg0: i32, %arg1: i32, %arg2: memref<32x80x128xi32, #tpu.memory_space<hbm>>, %arg3: memref<2x16x1x640xf32, #tpu.memory_space<hbm>>, %arg4: memref<80x128xi32, #tpu.memory_space<vmem>>, %arg5: memref<128xf32, #tpu.memory_space<vmem>>, %arg6: memref<640xf32, #tpu.memory_space<vmem>>, %arg7: memref<10240xf32, #tpu.memory_space<vmem_shared>>) attributes {dimension_semantics = [#tpu.dimension_semantics<core_parallel>, #tpu.dimension_semantics<subcore_parallel>], iteration_bounds = array<i64: 2, 16>, scalar_prefetch = 0 : i64, scratch_operands = 4 : i64, tpu.core_type = #tpu.core_type<sc_vector_subcore>, window_params = [{transform_indices = #map}, {transform_indices = #map1}]} {
    %mul3A = arith.constant 16 : i32
    %mul3A_0 = arith.muli %arg0, %mul3A : i32
    %add3A = arith.addi %mul3A_0, %arg1 : i32
    %scan3A = arith.constant 0 : i32
    %scan3A_1 = arith.constant 0 : i32
    %scan3A_2 = arith.constant 8 : i32
    %scan3A_3 = arith.addi %scan3A_1, %scan3A_2 : i32
    %scan3A_4 = arith.constant 1 : i32
    scf.for %scan3A_21 = %scan3A_1 to %scan3A_3 step %scan3A_4  : i32 {
      %broadcast_in_dim3A = arith.constant 1.000000e+00 : f32
      %broadcast_in_dim3A_22 = vector.broadcast %broadcast_in_dim3A : f32 to vector<16xf32>
      %mul3A_23 = arith.constant 16 : i32
      %mul3A_24 = arith.muli %scan3A_21, %mul3A_23 : i32
      %swap3A = arith.index_cast %mul3A_24 : i32 to index
      %swap3A_25 = tpu.vector_load %arg5[%swap3A] {strides = array<i32>} : memref<128xf32, #tpu.memory_space<vmem>>, vector<16xf32>,
      %swap3A_26 = vector.shape_cast %swap3A_25 : vector<16xf32> to vector<16xf32>
      %swap3A_27 = vector.shape_cast %broadcast_in_dim3A_22 : vector<16xf32> to vector<16xf32>
      tpu.vector_store %arg5[%swap3A], %swap3A_27 {strides = array<i32>} : memref<128xf32, #tpu.memory_space<vmem>>, vector<16xf32>,
    }
    %scan3A_5 = arith.constant 8 : i32
    %scan3A_6 = arith.constant 0 : i32
    %scan3A_7 = arith.constant 0 : i32
    %scan3A_8 = arith.constant 40 : i32
    %scan3A_9 = arith.addi %scan3A_7, %scan3A_8 : i32
    %scan3A_10 = arith.constant 1 : i32
    scf.for %scan3A_21 = %scan3A_7 to %scan3A_9 step %scan3A_10  : i32 {
      %broadcast_in_dim3A = arith.constant 0.000000e+00 : f32
      %broadcast_in_dim3A_22 = vector.broadcast %broadcast_in_dim3A : f32 to vector<16xf32>
      %mul3A_23 = arith.constant 16 : i32
      %mul3A_24 = arith.muli %scan3A_21, %mul3A_23 : i32
      %swap3A = arith.index_cast %mul3A_24 : i32 to index
      %swap3A_25 = tpu.vector_load %arg6[%swap3A] {strides = array<i32>} : memref<640xf32, #tpu.memory_space<vmem>>, vector<16xf32>,
      %swap3A_26 = vector.shape_cast %swap3A_25 : vector<16xf32> to vector<16xf32>
      %swap3A_27 = vector.shape_cast %broadcast_in_dim3A_22 : vector<16xf32> to vector<16xf32>
      tpu.vector_store %arg6[%swap3A], %swap3A_27 {strides = array<i32>} : memref<640xf32, #tpu.memory_space<vmem>>, vector<16xf32>,
    }
    %scan3A_11 = arith.constant 40 : i32
    %mul3A_12 = arith.constant 640 : i32
    %mul3A_13 = arith.muli %arg1, %mul3A_12 : i32
    %multiple_of3A = tpu.assume_multiple %mul3A_13, 8 : i32
    "tpu.region"() ({
      %run_scoped3A_21 = tpu.sem_alloc : memref<!tpu.dma_semaphore, #tpu.memory_space<semaphore_mem>>
      %dma_start3A = arith.constant 0 : i32
      %dma_start3A_22 = arith.constant 0 : i32
      %dma_start3A_23 = tpu.memref_slice %arg2[%add3A, %dma_start3A, %dma_start3A_22] : memref<32x80x128xi32, #tpu.memory_space<hbm>> -> memref<1x80x128xi32, #tpu.memory_space<hbm>>
      %dma_start3A_24 = tpu.memref_squeeze %dma_start3A_23 : memref<1x80x128xi32, #tpu.memory_space<hbm>> -> memref<80x128xi32, #tpu.memory_space<hbm>>
      %dma_start3A_25 = arith.constant 0 : i32
      %dma_start3A_26 = arith.constant 0 : i32
      %dma_start3A_27 = tpu.memref_slice %arg2[%add3A, %dma_start3A_25, %dma_start3A_26] : memref<32x80x128xi32, #tpu.memory_space<hbm>> -> memref<1x80x128xi32, #tpu.memory_space<hbm>>
      %dma_start3A_28 = tpu.memref_squeeze %dma_start3A_27 : memref<1x80x128xi32, #tpu.memory_space<hbm>> -> memref<80x128xi32, #tpu.memory_space<hbm>>
      tpu.enqueue_dma source(%dma_start3A_28 : memref<80x128xi32, #tpu.memory_space<hbm>>) target(%arg4 : memref<80x128xi32, #tpu.memory_space<vmem>>) target_semaphore(%run_scoped3A_21 : memref<!tpu.dma_semaphore, #tpu.memory_space<semaphore_mem>>)
      %dma_wait3A = arith.constant 0 : i32
      %dma_wait3A_29 = arith.constant 0 : i32
      %dma_wait3A_30 = tpu.memref_slice %arg2[%add3A, %dma_wait3A, %dma_wait3A_29] : memref<32x80x128xi32, #tpu.memory_space<hbm>> -> memref<1x80x128xi32, #tpu.memory_space<hbm>>
      %dma_wait3A_31 = tpu.memref_squeeze %dma_wait3A_30 : memref<1x80x128xi32, #tpu.memory_space<hbm>> -> memref<80x128xi32, #tpu.memory_space<hbm>>
      %dma_wait3A_32 = arith.constant 0 : i32
      %dma_wait3A_33 = arith.constant 0 : i32
      %dma_wait3A_34 = tpu.memref_slice %arg2[%add3A, %dma_wait3A_32, %dma_wait3A_33] : memref<32x80x128xi32, #tpu.memory_space<hbm>> -> memref<1x80x128xi32, #tpu.memory_space<hbm>>
      %dma_wait3A_35 = tpu.memref_squeeze %dma_wait3A_34 : memref<1x80x128xi32, #tpu.memory_space<hbm>> -> memref<80x128xi32, #tpu.memory_space<hbm>>
      tpu.wait_dma2 semaphore(%run_scoped3A_21 : memref<!tpu.dma_semaphore, #tpu.memory_space<semaphore_mem>>) src(%dma_wait3A_35 : memref<80x128xi32, #tpu.memory_space<hbm>>) dst(%arg4 : memref<80x128xi32, #tpu.memory_space<vmem>>)
      tpu.yield
    }) : () -> ()
    "tpu.region"() ({
      %run_scoped3A_21 = tpu.sem_alloc : memref<!tpu.dma_semaphore, #tpu.memory_space<semaphore_mem>>
      %dma_start3A = tpu.memref_slice %arg7[%multiple_of3A] : memref<10240xf32, #tpu.memory_space<vmem_shared>> -> memref<640xf32, #tpu.memory_space<vmem_shared>>
      %dma_start3A_22 = tpu.memref_slice %arg7[%multiple_of3A] : memref<10240xf32, #tpu.memory_space<vmem_shared>> -> memref<640xf32, #tpu.memory_space<vmem_shared>>
      tpu.enqueue_dma source(%arg6 : memref<640xf32, #tpu.memory_space<vmem>>) target(%dma_start3A_22 : memref<640xf32, #tpu.memory_space<vmem_shared>>) target_semaphore(%run_scoped3A_21 : memref<!tpu.dma_semaphore, #tpu.memory_space<semaphore_mem>>)
      %dma_wait3A = tpu.memref_slice %arg7[%multiple_of3A] : memref<10240xf32, #tpu.memory_space<vmem_shared>> -> memref<640xf32, #tpu.memory_space<vmem_shared>>
      %dma_wait3A_23 = tpu.memref_slice %arg7[%multiple_of3A] : memref<10240xf32, #tpu.memory_space<vmem_shared>> -> memref<640xf32, #tpu.memory_space<vmem_shared>>
      tpu.wait_dma2 semaphore(%run_scoped3A_21 : memref<!tpu.dma_semaphore, #tpu.memory_space<semaphore_mem>>) src(%arg6 : memref<640xf32, #tpu.memory_space<vmem>>) dst(%dma_wait3A_23 : memref<640xf32, #tpu.memory_space<vmem_shared>>)
      tpu.yield
    }) : () -> ()
    %barrier3A = arith.constant 0 : index
    tpu.barrier barrier_id(%barrier3A)
    %scan3A_14 = arith.constant 0 : i32
    %scan3A_15 = arith.constant 0 : i32
    %scan3A_16 = arith.constant 80 : i32
    %scan3A_17 = arith.addi %scan3A_15, %scan3A_16 : i32
    %scan3A_18 = arith.constant 1 : i32
    scf.for %scan3A_21 = %scan3A_15 to %scan3A_17 step %scan3A_18  : i32 {
      "tpu.region"() ({
        %run_scoped3A_22 = tpu.sem_alloc : memref<!tpu.dma_semaphore, #tpu.memory_space<semaphore_mem>>
        %dma_start3A = arith.constant 0 : i32
        %dma_start3A_23 = tpu.memref_slice %arg4[%scan3A_21, %dma_start3A] : memref<80x128xi32, #tpu.memory_space<vmem>> -> memref<1x128xi32, #tpu.memory_space<vmem>>
        %dma_start3A_24 = tpu.memref_squeeze %dma_start3A_23 : memref<1x128xi32, #tpu.memory_space<vmem>> -> memref<128xi32, #tpu.memory_space<vmem>>
        %dma_start3A_25 = arith.constant 0 : i32
        %dma_start3A_26 = tpu.memref_slice %arg7[%dma_start3A_25] : memref<10240xf32, #tpu.memory_space<vmem_shared>> -> memref<10240xf32, #tpu.memory_space<vmem_shared>>
        tpu.enqueue_indirect_dma source(%arg5 : memref<128xf32, #tpu.memory_space<vmem>>) target(%dma_start3A_26 : memref<10240xf32, #tpu.memory_space<vmem_shared>>) offsets(%dma_start3A_24 : memref<128xi32, #tpu.memory_space<vmem>>) semaphore(%run_scoped3A_22 : memref<!tpu.dma_semaphore, #tpu.memory_space<semaphore_mem>>) {add = true}
        %dma_wait3A = arith.constant 0 : i32
        %dma_wait3A_27 = tpu.memref_slice %arg4[%scan3A_21, %dma_wait3A] : memref<80x128xi32, #tpu.memory_space<vmem>> -> memref<1x128xi32, #tpu.memory_space<vmem>>
        %dma_wait3A_28 = tpu.memref_squeeze %dma_wait3A_27 : memref<1x128xi32, #tpu.memory_space<vmem>> -> memref<128xi32, #tpu.memory_space<vmem>>
        %dma_wait3A_29 = arith.constant 0 : i32
        %dma_wait3A_30 = tpu.memref_slice %arg7[%dma_wait3A_29] : memref<10240xf32, #tpu.memory_space<vmem_shared>> -> memref<10240xf32, #tpu.memory_space<vmem_shared>>
        tpu.wait_indirect_dma semaphore(%run_scoped3A_22 : memref<!tpu.dma_semaphore, #tpu.memory_space<semaphore_mem>>) src(%arg5 : memref<128xf32, #tpu.memory_space<vmem>>) dst(%dma_wait3A_30 : memref<10240xf32, #tpu.memory_space<vmem_shared>>)
        tpu.yield
      }) : () -> ()
    }
    %scan3A_19 = arith.constant 80 : i32
    %barrier3A_20 = arith.constant 0 : index
    tpu.barrier barrier_id(%barrier3A_20)
    "tpu.region"() ({
      %run_scoped3A_21 = tpu.sem_alloc : memref<!tpu.dma_semaphore, #tpu.memory_space<semaphore_mem>>
      %dma_start3A = tpu.memref_slice %arg7[%multiple_of3A] : memref<10240xf32, #tpu.memory_space<vmem_shared>> -> memref<640xf32, #tpu.memory_space<vmem_shared>>
      %dma_start3A_22 = tpu.memref_slice %arg7[%multiple_of3A] : memref<10240xf32, #tpu.memory_space<vmem_shared>> -> memref<640xf32, #tpu.memory_space<vmem_shared>>
      tpu.enqueue_dma source(%dma_start3A_22 : memref<640xf32, #tpu.memory_space<vmem_shared>>) target(%arg6 : memref<640xf32, #tpu.memory_space<vmem>>) target_semaphore(%run_scoped3A_21 : memref<!tpu.dma_semaphore, #tpu.memory_space<semaphore_mem>>)
      %dma_wait3A = tpu.memref_slice %arg7[%multiple_of3A] : memref<10240xf32, #tpu.memory_space<vmem_shared>> -> memref<640xf32, #tpu.memory_space<vmem_shared>>
      %dma_wait3A_23 = tpu.memref_slice %arg7[%multiple_of3A] : memref<10240xf32, #tpu.memory_space<vmem_shared>> -> memref<640xf32, #tpu.memory_space<vmem_shared>>
      tpu.wait_dma2 semaphore(%run_scoped3A_21 : memref<!tpu.dma_semaphore, #tpu.memory_space<semaphore_mem>>) src(%dma_wait3A_23 : memref<640xf32, #tpu.memory_space<vmem_shared>>) dst(%arg6 : memref<640xf32, #tpu.memory_space<vmem>>)
      tpu.yield
    }) : () -> ()
    %run_scoped3A = arith.constant 0 : i32
    "tpu.region"() ({
      %run_scoped3A_21 = tpu.sem_alloc : memref<!tpu.dma_semaphore, #tpu.memory_space<semaphore_mem>>
      %dma_start3A = arith.constant 0 : i32
      %dma_start3A_22 = tpu.memref_slice %arg3[%arg0, %arg1, %run_scoped3A, %dma_start3A] : memref<2x16x1x640xf32, #tpu.memory_space<hbm>> -> memref<1x1x1x640xf32, #tpu.memory_space<hbm>>
      %dma_start3A_23 = tpu.memref_squeeze %dma_start3A_22 : memref<1x1x1x640xf32, #tpu.memory_space<hbm>> -> memref<640xf32, #tpu.memory_space<hbm>>
      %dma_start3A_24 = arith.constant 0 : i32
      %dma_start3A_25 = tpu.memref_slice %arg3[%arg0, %arg1, %run_scoped3A, %dma_start3A_24] : memref<2x16x1x640xf32, #tpu.memory_space<hbm>> -> memref<1x1x1x640xf32, #tpu.memory_space<hbm>>
      %dma_start3A_26 = tpu.memref_squeeze %dma_start3A_25 : memref<1x1x1x640xf32, #tpu.memory_space<hbm>> -> memref<640xf32, #tpu.memory_space<hbm>>
      tpu.enqueue_dma source(%arg6 : memref<640xf32, #tpu.memory_space<vmem>>) target(%dma_start3A_26 : memref<640xf32, #tpu.memory_space<hbm>>) target_semaphore(%run_scoped3A_21 : memref<!tpu.dma_semaphore, #tpu.memory_space<semaphore_mem>>)
      %dma_wait3A = arith.constant 0 : i32
      %dma_wait3A_27 = tpu.memref_slice %arg3[%arg0, %arg1, %run_scoped3A, %dma_wait3A] : memref<2x16x1x640xf32, #tpu.memory_space<hbm>> -> memref<1x1x1x640xf32, #tpu.memory_space<hbm>>
      %dma_wait3A_28 = tpu.memref_squeeze %dma_wait3A_27 : memref<1x1x1x640xf32, #tpu.memory_space<hbm>> -> memref<640xf32, #tpu.memory_space<hbm>>
      %dma_wait3A_29 = arith.constant 0 : i32
      %dma_wait3A_30 = tpu.memref_slice %arg3[%arg0, %arg1, %run_scoped3A, %dma_wait3A_29] : memref<2x16x1x640xf32, #tpu.memory_space<hbm>> -> memref<1x1x1x640xf32, #tpu.memory_space<hbm>>
      %dma_wait3A_31 = tpu.memref_squeeze %dma_wait3A_30 : memref<1x1x1x640xf32, #tpu.memory_space<hbm>> -> memref<640xf32, #tpu.memory_space<hbm>>
      tpu.wait_dma2 semaphore(%run_scoped3A_21 : memref<!tpu.dma_semaphore, #tpu.memory_space<semaphore_mem>>) src(%arg6 : memref<640xf32, #tpu.memory_space<vmem>>) dst(%dma_wait3A_31 : memref<640xf32, #tpu.memory_space<hbm>>)
      tpu.yield
    }) : () -> ()
    return
  }
}

#map = affine_map<(d0, d1) -> (0, 0)>
#map1 = affine_map<(d0, d1) -> (0, 0, 0)>
#map2 = affine_map<(d0, d1) -> (0, 0, 0, 0, 0)>
module attributes {stable_mosaic.version = 14 : i64} {
  func.func @_sc_agg_body(%arg0: i32, %arg1: i32, %arg2: memref<10240x128xf32, #tpu.memory_space<hbm>>, %arg3: memref<16x160x128xi32, #tpu.memory_space<hbm>>, %arg4: memref<2x2x16x160x128xi32, #tpu.memory_space<hbm>>, %arg5: memref<10240x128xf32, #tpu.memory_space<hbm>>, %arg6: memref<160x128xi32, #tpu.memory_space<vmem>>, %arg7: memref<160x128xi32, #tpu.memory_space<vmem>>, %arg8: memref<128x128xf32, #tpu.memory_space<vmem>>, %arg9: memref<160x128xf32, #tpu.memory_space<vmem>>, %arg10: memref<160x128xf32, #tpu.memory_space<vmem>>, %arg11: memref<2688x128xf32, #tpu.memory_space<vmem_shared>>, %arg12: memref<!tpu.dma_semaphore, #tpu.memory_space<semaphore_mem>>) attributes {dimension_semantics = [#tpu.dimension_semantics<core_parallel>, #tpu.dimension_semantics<subcore_parallel>], iteration_bounds = array<i64: 2, 16>, scalar_prefetch = 0 : i64, scratch_operands = 7 : i64, tpu.core_type = #tpu.core_type<sc_vector_subcore>, window_params = [{transform_indices = #map}, {transform_indices = #map1}, {transform_indices = #map2}, {transform_indices = #map}]} {
    %scan3A = arith.constant 0 : i32
    %scan3A_0 = arith.constant 0 : i32
    %scan3A_1 = arith.constant 160 : i32
    %scan3A_2 = arith.addi %scan3A_0, %scan3A_1 : i32
    %scan3A_3 = arith.constant 1 : i32
    scf.for %scan3A_41 = %scan3A_0 to %scan3A_2 step %scan3A_3  : i32 {
      %scan3A_42 = arith.constant 0 : i32
      %scan3A_43 = arith.constant 8 : i32
      %scan3A_44 = arith.addi %scan3A_42, %scan3A_43 : i32
      %scan3A_45 = arith.constant 1 : i32
      scf.for %scan3A_47 = %scan3A_42 to %scan3A_44 step %scan3A_45  : i32 {
        %broadcast_in_dim3A = arith.constant 0.000000e+00 : f32
        %broadcast_in_dim3A_48 = vector.broadcast %broadcast_in_dim3A : f32 to vector<16xf32>
        %mul3A_49 = arith.constant 16 : i32
        %mul3A_50 = arith.muli %scan3A_47, %mul3A_49 : i32
        %swap3A = arith.index_cast %scan3A_41 : i32 to index
        %swap3A_51 = arith.index_cast %mul3A_50 : i32 to index
        %swap3A_52 = tpu.vector_load %arg9[%swap3A, %swap3A_51] {strides = array<i32>} : memref<160x128xf32, #tpu.memory_space<vmem>>, vector<1x16xf32>,
        %swap3A_53 = vector.shape_cast %swap3A_52 : vector<1x16xf32> to vector<16xf32>
        %swap3A_54 = vector.shape_cast %broadcast_in_dim3A_48 : vector<16xf32> to vector<1x16xf32>
        tpu.vector_store %arg9[%swap3A, %swap3A_51], %swap3A_54 {strides = array<i32>} : memref<160x128xf32, #tpu.memory_space<vmem>>, vector<1x16xf32>,
      }
      %scan3A_46 = arith.constant 8 : i32
    }
    %scan3A_4 = arith.constant 160 : i32
    %mul3A = arith.constant 160 : i32
    %mul3A_5 = arith.muli %arg1, %mul3A : i32
    %multiple_of3A = tpu.assume_multiple %mul3A_5, 8 : i32
    "tpu.region"() ({
      %run_scoped3A_41 = tpu.sem_alloc : memref<!tpu.dma_semaphore, #tpu.memory_space<semaphore_mem>>
      %dma_start3A = arith.constant 0 : i32
      %dma_start3A_42 = arith.constant 0 : i32
      %dma_start3A_43 = tpu.memref_slice %arg3[%arg1, %dma_start3A, %dma_start3A_42] : memref<16x160x128xi32, #tpu.memory_space<hbm>> -> memref<1x160x128xi32, #tpu.memory_space<hbm>>
      %dma_start3A_44 = tpu.memref_squeeze %dma_start3A_43 : memref<1x160x128xi32, #tpu.memory_space<hbm>> -> memref<160x128xi32, #tpu.memory_space<hbm>>
      %dma_start3A_45 = arith.constant 0 : i32
      %dma_start3A_46 = arith.constant 0 : i32
      %dma_start3A_47 = tpu.memref_slice %arg3[%arg1, %dma_start3A_45, %dma_start3A_46] : memref<16x160x128xi32, #tpu.memory_space<hbm>> -> memref<1x160x128xi32, #tpu.memory_space<hbm>>
      %dma_start3A_48 = tpu.memref_squeeze %dma_start3A_47 : memref<1x160x128xi32, #tpu.memory_space<hbm>> -> memref<160x128xi32, #tpu.memory_space<hbm>>
      tpu.enqueue_dma source(%dma_start3A_48 : memref<160x128xi32, #tpu.memory_space<hbm>>) target(%arg6 : memref<160x128xi32, #tpu.memory_space<vmem>>) target_semaphore(%run_scoped3A_41 : memref<!tpu.dma_semaphore, #tpu.memory_space<semaphore_mem>>)
      %dma_wait3A = arith.constant 0 : i32
      %dma_wait3A_49 = arith.constant 0 : i32
      %dma_wait3A_50 = tpu.memref_slice %arg3[%arg1, %dma_wait3A, %dma_wait3A_49] : memref<16x160x128xi32, #tpu.memory_space<hbm>> -> memref<1x160x128xi32, #tpu.memory_space<hbm>>
      %dma_wait3A_51 = tpu.memref_squeeze %dma_wait3A_50 : memref<1x160x128xi32, #tpu.memory_space<hbm>> -> memref<160x128xi32, #tpu.memory_space<hbm>>
      %dma_wait3A_52 = arith.constant 0 : i32
      %dma_wait3A_53 = arith.constant 0 : i32
      %dma_wait3A_54 = tpu.memref_slice %arg3[%arg1, %dma_wait3A_52, %dma_wait3A_53] : memref<16x160x128xi32, #tpu.memory_space<hbm>> -> memref<1x160x128xi32, #tpu.memory_space<hbm>>
      %dma_wait3A_55 = tpu.memref_squeeze %dma_wait3A_54 : memref<1x160x128xi32, #tpu.memory_space<hbm>> -> memref<160x128xi32, #tpu.memory_space<hbm>>
      tpu.wait_dma2 semaphore(%run_scoped3A_41 : memref<!tpu.dma_semaphore, #tpu.memory_space<semaphore_mem>>) src(%dma_wait3A_55 : memref<160x128xi32, #tpu.memory_space<hbm>>) dst(%arg6 : memref<160x128xi32, #tpu.memory_space<vmem>>)
      tpu.yield
    }) : () -> ()
    %mul3A_6 = arith.constant 2560 : i32
    %mul3A_7 = arith.muli %arg0, %mul3A_6 : i32
    %add3A = arith.constant 0 : i32
    %add3A_8 = arith.addi %add3A, %mul3A_7 : i32
    %multiple_of3A_9 = tpu.assume_multiple %add3A_8, 2560 : i32
    %mul3A_10 = arith.constant 160 : i32
    %mul3A_11 = arith.muli %arg1, %mul3A_10 : i32
    %add3A_12 = arith.addi %multiple_of3A_9, %mul3A_11 : i32
    %multiple_of3A_13 = tpu.assume_multiple %add3A_12, 8 : i32
    %run_scoped3A = arith.constant 0 : i32
    "tpu.region"() ({
      %run_scoped3A_41 = tpu.sem_alloc : memref<!tpu.dma_semaphore, #tpu.memory_space<semaphore_mem>>
      %dma_start3A = arith.constant 0 : i32
      %dma_start3A_42 = arith.constant 0 : i32
      %dma_start3A_43 = tpu.memref_slice %arg4[%run_scoped3A, %arg0, %arg1, %dma_start3A, %dma_start3A_42] : memref<2x2x16x160x128xi32, #tpu.memory_space<hbm>> -> memref<1x1x1x160x128xi32, #tpu.memory_space<hbm>>
      %dma_start3A_44 = tpu.memref_squeeze %dma_start3A_43 : memref<1x1x1x160x128xi32, #tpu.memory_space<hbm>> -> memref<160x128xi32, #tpu.memory_space<hbm>>
      %dma_start3A_45 = arith.constant 0 : i32
      %dma_start3A_46 = arith.constant 0 : i32
      %dma_start3A_47 = tpu.memref_slice %arg4[%run_scoped3A, %arg0, %arg1, %dma_start3A_45, %dma_start3A_46] : memref<2x2x16x160x128xi32, #tpu.memory_space<hbm>> -> memref<1x1x1x160x128xi32, #tpu.memory_space<hbm>>
      %dma_start3A_48 = tpu.memref_squeeze %dma_start3A_47 : memref<1x1x1x160x128xi32, #tpu.memory_space<hbm>> -> memref<160x128xi32, #tpu.memory_space<hbm>>
      tpu.enqueue_dma source(%dma_start3A_48 : memref<160x128xi32, #tpu.memory_space<hbm>>) target(%arg7 : memref<160x128xi32, #tpu.memory_space<vmem>>) target_semaphore(%run_scoped3A_41 : memref<!tpu.dma_semaphore, #tpu.memory_space<semaphore_mem>>)
      %dma_wait3A = arith.constant 0 : i32
      %dma_wait3A_49 = arith.constant 0 : i32
      %dma_wait3A_50 = tpu.memref_slice %arg4[%run_scoped3A, %arg0, %arg1, %dma_wait3A, %dma_wait3A_49] : memref<2x2x16x160x128xi32, #tpu.memory_space<hbm>> -> memref<1x1x1x160x128xi32, #tpu.memory_space<hbm>>
      %dma_wait3A_51 = tpu.memref_squeeze %dma_wait3A_50 : memref<1x1x1x160x128xi32, #tpu.memory_space<hbm>> -> memref<160x128xi32, #tpu.memory_space<hbm>>
      %dma_wait3A_52 = arith.constant 0 : i32
      %dma_wait3A_53 = arith.constant 0 : i32
      %dma_wait3A_54 = tpu.memref_slice %arg4[%run_scoped3A, %arg0, %arg1, %dma_wait3A_52, %dma_wait3A_53] : memref<2x2x16x160x128xi32, #tpu.memory_space<hbm>> -> memref<1x1x1x160x128xi32, #tpu.memory_space<hbm>>
      %dma_wait3A_55 = tpu.memref_squeeze %dma_wait3A_54 : memref<1x1x1x160x128xi32, #tpu.memory_space<hbm>> -> memref<160x128xi32, #tpu.memory_space<hbm>>
      tpu.wait_dma2 semaphore(%run_scoped3A_41 : memref<!tpu.dma_semaphore, #tpu.memory_space<semaphore_mem>>) src(%dma_wait3A_55 : memref<160x128xi32, #tpu.memory_space<hbm>>) dst(%arg7 : memref<160x128xi32, #tpu.memory_space<vmem>>)
      tpu.yield
    }) : () -> ()
    "tpu.region"() ({
      %run_scoped3A_41 = tpu.sem_alloc : memref<!tpu.dma_semaphore, #tpu.memory_space<semaphore_mem>>
      %dma_start3A = arith.constant 0 : i32
      %dma_start3A_42 = tpu.memref_slice %arg11[%multiple_of3A, %dma_start3A] : memref<2688x128xf32, #tpu.memory_space<vmem_shared>> -> memref<160x128xf32, #tpu.memory_space<vmem_shared>>
      %dma_start3A_43 = arith.constant 0 : i32
      %dma_start3A_44 = tpu.memref_slice %arg11[%multiple_of3A, %dma_start3A_43] : memref<2688x128xf32, #tpu.memory_space<vmem_shared>> -> memref<160x128xf32, #tpu.memory_space<vmem_shared>>
      tpu.enqueue_dma source(%arg9 : memref<160x128xf32, #tpu.memory_space<vmem>>) target(%dma_start3A_44 : memref<160x128xf32, #tpu.memory_space<vmem_shared>>) target_semaphore(%run_scoped3A_41 : memref<!tpu.dma_semaphore, #tpu.memory_space<semaphore_mem>>)
      %dma_wait3A = arith.constant 0 : i32
      %dma_wait3A_45 = tpu.memref_slice %arg11[%multiple_of3A, %dma_wait3A] : memref<2688x128xf32, #tpu.memory_space<vmem_shared>> -> memref<160x128xf32, #tpu.memory_space<vmem_shared>>
      %dma_wait3A_46 = arith.constant 0 : i32
      %dma_wait3A_47 = tpu.memref_slice %arg11[%multiple_of3A, %dma_wait3A_46] : memref<2688x128xf32, #tpu.memory_space<vmem_shared>> -> memref<160x128xf32, #tpu.memory_space<vmem_shared>>
      tpu.wait_dma2 semaphore(%run_scoped3A_41 : memref<!tpu.dma_semaphore, #tpu.memory_space<semaphore_mem>>) src(%arg9 : memref<160x128xf32, #tpu.memory_space<vmem>>) dst(%dma_wait3A_47 : memref<160x128xf32, #tpu.memory_space<vmem_shared>>)
      tpu.yield
    }) : () -> ()
    %barrier3A = arith.constant 0 : index
    tpu.barrier barrier_id(%barrier3A)
    %scan3A_14 = arith.constant 0 : i32
    %scan3A_15 = arith.constant 0 : i32
    %scan3A_16 = arith.constant 160 : i32
    %scan3A_17 = arith.addi %scan3A_15, %scan3A_16 : i32
    %scan3A_18 = arith.constant 1 : i32
    scf.for %scan3A_41 = %scan3A_15 to %scan3A_17 step %scan3A_18  : i32 {
      %dma_start3A = arith.constant 0 : i32
      %dma_start3A_42 = tpu.memref_slice %arg6[%scan3A_41, %dma_start3A] : memref<160x128xi32, #tpu.memory_space<vmem>> -> memref<1x128xi32, #tpu.memory_space<vmem>>
      %dma_start3A_43 = tpu.memref_squeeze %dma_start3A_42 : memref<1x128xi32, #tpu.memory_space<vmem>> -> memref<128xi32, #tpu.memory_space<vmem>>
      %dma_start3A_44 = arith.constant 0 : i32
      %dma_start3A_45 = arith.constant 0 : i32
      %dma_start3A_46 = tpu.memref_slice %arg2[%dma_start3A_44, %dma_start3A_45] : memref<10240x128xf32, #tpu.memory_space<hbm>> -> memref<10240x128xf32, #tpu.memory_space<hbm>>
      tpu.enqueue_indirect_dma source(%dma_start3A_46 : memref<10240x128xf32, #tpu.memory_space<hbm>>) target(%arg8 : memref<128x128xf32, #tpu.memory_space<vmem>>) offsets(%dma_start3A_43 : memref<128xi32, #tpu.memory_space<vmem>>) semaphore(%arg12 : memref<!tpu.dma_semaphore, #tpu.memory_space<semaphore_mem>>)
      %dma_wait3A = arith.constant 0 : i32
      %dma_wait3A_47 = tpu.memref_slice %arg6[%scan3A_41, %dma_wait3A] : memref<160x128xi32, #tpu.memory_space<vmem>> -> memref<1x128xi32, #tpu.memory_space<vmem>>
      %dma_wait3A_48 = tpu.memref_squeeze %dma_wait3A_47 : memref<1x128xi32, #tpu.memory_space<vmem>> -> memref<128xi32, #tpu.memory_space<vmem>>
      %dma_wait3A_49 = arith.constant 0 : i32
      %dma_wait3A_50 = arith.constant 0 : i32
      %dma_wait3A_51 = tpu.memref_slice %arg2[%dma_wait3A_49, %dma_wait3A_50] : memref<10240x128xf32, #tpu.memory_space<hbm>> -> memref<10240x128xf32, #tpu.memory_space<hbm>>
      tpu.wait_indirect_dma semaphore(%arg12 : memref<!tpu.dma_semaphore, #tpu.memory_space<semaphore_mem>>) src(%dma_wait3A_51 : memref<10240x128xf32, #tpu.memory_space<hbm>>) dst(%arg8 : memref<128x128xf32, #tpu.memory_space<vmem>>)
      "tpu.region"() ({
        %run_scoped3A_52 = tpu.sem_alloc : memref<!tpu.dma_semaphore, #tpu.memory_space<semaphore_mem>>
        %dma_start3A_53 = arith.constant 0 : i32
        %dma_start3A_54 = tpu.memref_slice %arg7[%scan3A_41, %dma_start3A_53] : memref<160x128xi32, #tpu.memory_space<vmem>> -> memref<1x128xi32, #tpu.memory_space<vmem>>
        %dma_start3A_55 = tpu.memref_squeeze %dma_start3A_54 : memref<1x128xi32, #tpu.memory_space<vmem>> -> memref<128xi32, #tpu.memory_space<vmem>>
        %dma_start3A_56 = arith.constant 0 : i32
        %dma_start3A_57 = arith.constant 0 : i32
        %dma_start3A_58 = tpu.memref_slice %arg11[%dma_start3A_56, %dma_start3A_57] : memref<2688x128xf32, #tpu.memory_space<vmem_shared>> -> memref<2688x128xf32, #tpu.memory_space<vmem_shared>>
        tpu.enqueue_indirect_dma source(%arg8 : memref<128x128xf32, #tpu.memory_space<vmem>>) target(%dma_start3A_58 : memref<2688x128xf32, #tpu.memory_space<vmem_shared>>) offsets(%dma_start3A_55 : memref<128xi32, #tpu.memory_space<vmem>>) semaphore(%run_scoped3A_52 : memref<!tpu.dma_semaphore, #tpu.memory_space<semaphore_mem>>) {add = true}
        %dma_wait3A_59 = arith.constant 0 : i32
        %dma_wait3A_60 = tpu.memref_slice %arg7[%scan3A_41, %dma_wait3A_59] : memref<160x128xi32, #tpu.memory_space<vmem>> -> memref<1x128xi32, #tpu.memory_space<vmem>>
        %dma_wait3A_61 = tpu.memref_squeeze %dma_wait3A_60 : memref<1x128xi32, #tpu.memory_space<vmem>> -> memref<128xi32, #tpu.memory_space<vmem>>
        %dma_wait3A_62 = arith.constant 0 : i32
        %dma_wait3A_63 = arith.constant 0 : i32
        %dma_wait3A_64 = tpu.memref_slice %arg11[%dma_wait3A_62, %dma_wait3A_63] : memref<2688x128xf32, #tpu.memory_space<vmem_shared>> -> memref<2688x128xf32, #tpu.memory_space<vmem_shared>>
        tpu.wait_indirect_dma semaphore(%run_scoped3A_52 : memref<!tpu.dma_semaphore, #tpu.memory_space<semaphore_mem>>) src(%arg8 : memref<128x128xf32, #tpu.memory_space<vmem>>) dst(%dma_wait3A_64 : memref<2688x128xf32, #tpu.memory_space<vmem_shared>>)
        tpu.yield
      }) : () -> ()
    }
    %scan3A_19 = arith.constant 160 : i32
    %barrier3A_20 = arith.constant 0 : index
    tpu.barrier barrier_id(%barrier3A_20)
    "tpu.region"() ({
      %run_scoped3A_41 = tpu.sem_alloc : memref<!tpu.dma_semaphore, #tpu.memory_space<semaphore_mem>>
      %dma_start3A = arith.constant 0 : i32
      %dma_start3A_42 = tpu.memref_slice %arg11[%multiple_of3A, %dma_start3A] : memref<2688x128xf32, #tpu.memory_space<vmem_shared>> -> memref<160x128xf32, #tpu.memory_space<vmem_shared>>
      %dma_start3A_43 = arith.constant 0 : i32
      %dma_start3A_44 = tpu.memref_slice %arg11[%multiple_of3A, %dma_start3A_43] : memref<2688x128xf32, #tpu.memory_space<vmem_shared>> -> memref<160x128xf32, #tpu.memory_space<vmem_shared>>
      tpu.enqueue_dma source(%dma_start3A_44 : memref<160x128xf32, #tpu.memory_space<vmem_shared>>) target(%arg10 : memref<160x128xf32, #tpu.memory_space<vmem>>) target_semaphore(%run_scoped3A_41 : memref<!tpu.dma_semaphore, #tpu.memory_space<semaphore_mem>>)
      %dma_wait3A = arith.constant 0 : i32
      %dma_wait3A_45 = tpu.memref_slice %arg11[%multiple_of3A, %dma_wait3A] : memref<2688x128xf32, #tpu.memory_space<vmem_shared>> -> memref<160x128xf32, #tpu.memory_space<vmem_shared>>
      %dma_wait3A_46 = arith.constant 0 : i32
      %dma_wait3A_47 = tpu.memref_slice %arg11[%multiple_of3A, %dma_wait3A_46] : memref<2688x128xf32, #tpu.memory_space<vmem_shared>> -> memref<160x128xf32, #tpu.memory_space<vmem_shared>>
      tpu.wait_dma2 semaphore(%run_scoped3A_41 : memref<!tpu.dma_semaphore, #tpu.memory_space<semaphore_mem>>) src(%dma_wait3A_47 : memref<160x128xf32, #tpu.memory_space<vmem_shared>>) dst(%arg10 : memref<160x128xf32, #tpu.memory_space<vmem>>)
      tpu.yield
    }) : () -> ()
    "tpu.region"() ({
      %run_scoped3A_41 = tpu.sem_alloc : memref<!tpu.dma_semaphore, #tpu.memory_space<semaphore_mem>>
      %dma_start3A = arith.constant 0 : i32
      %dma_start3A_42 = tpu.memref_slice %arg5[%multiple_of3A_13, %dma_start3A] : memref<10240x128xf32, #tpu.memory_space<hbm>> -> memref<160x128xf32, #tpu.memory_space<hbm>>
      %dma_start3A_43 = arith.constant 0 : i32
      %dma_start3A_44 = tpu.memref_slice %arg5[%multiple_of3A_13, %dma_start3A_43] : memref<10240x128xf32, #tpu.memory_space<hbm>> -> memref<160x128xf32, #tpu.memory_space<hbm>>
      tpu.enqueue_dma source(%arg10 : memref<160x128xf32, #tpu.memory_space<vmem>>) target(%dma_start3A_44 : memref<160x128xf32, #tpu.memory_space<hbm>>) target_semaphore(%run_scoped3A_41 : memref<!tpu.dma_semaphore, #tpu.memory_space<semaphore_mem>>)
      %dma_wait3A = arith.constant 0 : i32
      %dma_wait3A_45 = tpu.memref_slice %arg5[%multiple_of3A_13, %dma_wait3A] : memref<10240x128xf32, #tpu.memory_space<hbm>> -> memref<160x128xf32, #tpu.memory_space<hbm>>
      %dma_wait3A_46 = arith.constant 0 : i32
      %dma_wait3A_47 = tpu.memref_slice %arg5[%multiple_of3A_13, %dma_wait3A_46] : memref<10240x128xf32, #tpu.memory_space<hbm>> -> memref<160x128xf32, #tpu.memory_space<hbm>>
      tpu.wait_dma2 semaphore(%run_scoped3A_41 : memref<!tpu.dma_semaphore, #tpu.memory_space<semaphore_mem>>) src(%arg10 : memref<160x128xf32, #tpu.memory_space<vmem>>) dst(%dma_wait3A_47 : memref<160x128xf32, #tpu.memory_space<hbm>>)
      tpu.yield
    }) : () -> ()
    %barrier3A_21 = arith.constant 0 : index
    tpu.barrier barrier_id(%barrier3A_21)
    %mul3A_22 = arith.constant 2560 : i32
    %mul3A_23 = arith.muli %arg0, %mul3A_22 : i32
    %add3A_24 = arith.constant 5120 : i32
    %add3A_25 = arith.addi %add3A_24, %mul3A_23 : i32
    %multiple_of3A_26 = tpu.assume_multiple %add3A_25, 2560 : i32
    %mul3A_27 = arith.constant 160 : i32
    %mul3A_28 = arith.muli %arg1, %mul3A_27 : i32
    %add3A_29 = arith.addi %multiple_of3A_26, %mul3A_28 : i32
    %multiple_of3A_30 = tpu.assume_multiple %add3A_29, 8 : i32
    %run_scoped3A_31 = arith.constant 1 : i32
    "tpu.region"() ({
      %run_scoped3A_41 = tpu.sem_alloc : memref<!tpu.dma_semaphore, #tpu.memory_space<semaphore_mem>>
      %dma_start3A = arith.constant 0 : i32
      %dma_start3A_42 = arith.constant 0 : i32
      %dma_start3A_43 = tpu.memref_slice %arg4[%run_scoped3A_31, %arg0, %arg1, %dma_start3A, %dma_start3A_42] : memref<2x2x16x160x128xi32, #tpu.memory_space<hbm>> -> memref<1x1x1x160x128xi32, #tpu.memory_space<hbm>>
      %dma_start3A_44 = tpu.memref_squeeze %dma_start3A_43 : memref<1x1x1x160x128xi32, #tpu.memory_space<hbm>> -> memref<160x128xi32, #tpu.memory_space<hbm>>
      %dma_start3A_45 = arith.constant 0 : i32
      %dma_start3A_46 = arith.constant 0 : i32
      %dma_start3A_47 = tpu.memref_slice %arg4[%run_scoped3A_31, %arg0, %arg1, %dma_start3A_45, %dma_start3A_46] : memref<2x2x16x160x128xi32, #tpu.memory_space<hbm>> -> memref<1x1x1x160x128xi32, #tpu.memory_space<hbm>>
      %dma_start3A_48 = tpu.memref_squeeze %dma_start3A_47 : memref<1x1x1x160x128xi32, #tpu.memory_space<hbm>> -> memref<160x128xi32, #tpu.memory_space<hbm>>
      tpu.enqueue_dma source(%dma_start3A_48 : memref<160x128xi32, #tpu.memory_space<hbm>>) target(%arg7 : memref<160x128xi32, #tpu.memory_space<vmem>>) target_semaphore(%run_scoped3A_41 : memref<!tpu.dma_semaphore, #tpu.memory_space<semaphore_mem>>)
      %dma_wait3A = arith.constant 0 : i32
      %dma_wait3A_49 = arith.constant 0 : i32
      %dma_wait3A_50 = tpu.memref_slice %arg4[%run_scoped3A_31, %arg0, %arg1, %dma_wait3A, %dma_wait3A_49] : memref<2x2x16x160x128xi32, #tpu.memory_space<hbm>> -> memref<1x1x1x160x128xi32, #tpu.memory_space<hbm>>
      %dma_wait3A_51 = tpu.memref_squeeze %dma_wait3A_50 : memref<1x1x1x160x128xi32, #tpu.memory_space<hbm>> -> memref<160x128xi32, #tpu.memory_space<hbm>>
      %dma_wait3A_52 = arith.constant 0 : i32
      %dma_wait3A_53 = arith.constant 0 : i32
      %dma_wait3A_54 = tpu.memref_slice %arg4[%run_scoped3A_31, %arg0, %arg1, %dma_wait3A_52, %dma_wait3A_53] : memref<2x2x16x160x128xi32, #tpu.memory_space<hbm>> -> memref<1x1x1x160x128xi32, #tpu.memory_space<hbm>>
      %dma_wait3A_55 = tpu.memref_squeeze %dma_wait3A_54 : memref<1x1x1x160x128xi32, #tpu.memory_space<hbm>> -> memref<160x128xi32, #tpu.memory_space<hbm>>
      tpu.wait_dma2 semaphore(%run_scoped3A_41 : memref<!tpu.dma_semaphore, #tpu.memory_space<semaphore_mem>>) src(%dma_wait3A_55 : memref<160x128xi32, #tpu.memory_space<hbm>>) dst(%arg7 : memref<160x128xi32, #tpu.memory_space<vmem>>)
      tpu.yield
    }) : () -> ()
    "tpu.region"() ({
      %run_scoped3A_41 = tpu.sem_alloc : memref<!tpu.dma_semaphore, #tpu.memory_space<semaphore_mem>>
      %dma_start3A = arith.constant 0 : i32
      %dma_start3A_42 = tpu.memref_slice %arg11[%multiple_of3A, %dma_start3A] : memref<2688x128xf32, #tpu.memory_space<vmem_shared>> -> memref<160x128xf32, #tpu.memory_space<vmem_shared>>
      %dma_start3A_43 = arith.constant 0 : i32
      %dma_start3A_44 = tpu.memref_slice %arg11[%multiple_of3A, %dma_start3A_43] : memref<2688x128xf32, #tpu.memory_space<vmem_shared>> -> memref<160x128xf32, #tpu.memory_space<vmem_shared>>
      tpu.enqueue_dma source(%arg9 : memref<160x128xf32, #tpu.memory_space<vmem>>) target(%dma_start3A_44 : memref<160x128xf32, #tpu.memory_space<vmem_shared>>) target_semaphore(%run_scoped3A_41 : memref<!tpu.dma_semaphore, #tpu.memory_space<semaphore_mem>>)
      %dma_wait3A = arith.constant 0 : i32
      %dma_wait3A_45 = tpu.memref_slice %arg11[%multiple_of3A, %dma_wait3A] : memref<2688x128xf32, #tpu.memory_space<vmem_shared>> -> memref<160x128xf32, #tpu.memory_space<vmem_shared>>
      %dma_wait3A_46 = arith.constant 0 : i32
      %dma_wait3A_47 = tpu.memref_slice %arg11[%multiple_of3A, %dma_wait3A_46] : memref<2688x128xf32, #tpu.memory_space<vmem_shared>> -> memref<160x128xf32, #tpu.memory_space<vmem_shared>>
      tpu.wait_dma2 semaphore(%run_scoped3A_41 : memref<!tpu.dma_semaphore, #tpu.memory_space<semaphore_mem>>) src(%arg9 : memref<160x128xf32, #tpu.memory_space<vmem>>) dst(%dma_wait3A_47 : memref<160x128xf32, #tpu.memory_space<vmem_shared>>)
      tpu.yield
    }) : () -> ()
    %barrier3A_32 = arith.constant 0 : index
    tpu.barrier barrier_id(%barrier3A_32)
    %scan3A_33 = arith.constant 0 : i32
    %scan3A_34 = arith.constant 0 : i32
    %scan3A_35 = arith.constant 160 : i32
    %scan3A_36 = arith.addi %scan3A_34, %scan3A_35 : i32
    %scan3A_37 = arith.constant 1 : i32
    scf.for %scan3A_41 = %scan3A_34 to %scan3A_36 step %scan3A_37  : i32 {
      %dma_start3A = arith.constant 0 : i32
      %dma_start3A_42 = tpu.memref_slice %arg6[%scan3A_41, %dma_start3A] : memref<160x128xi32, #tpu.memory_space<vmem>> -> memref<1x128xi32, #tpu.memory_space<vmem>>
      %dma_start3A_43 = tpu.memref_squeeze %dma_start3A_42 : memref<1x128xi32, #tpu.memory_space<vmem>> -> memref<128xi32, #tpu.memory_space<vmem>>
      %dma_start3A_44 = arith.constant 0 : i32
      %dma_start3A_45 = arith.constant 0 : i32
      %dma_start3A_46 = tpu.memref_slice %arg2[%dma_start3A_44, %dma_start3A_45] : memref<10240x128xf32, #tpu.memory_space<hbm>> -> memref<10240x128xf32, #tpu.memory_space<hbm>>
      tpu.enqueue_indirect_dma source(%dma_start3A_46 : memref<10240x128xf32, #tpu.memory_space<hbm>>) target(%arg8 : memref<128x128xf32, #tpu.memory_space<vmem>>) offsets(%dma_start3A_43 : memref<128xi32, #tpu.memory_space<vmem>>) semaphore(%arg12 : memref<!tpu.dma_semaphore, #tpu.memory_space<semaphore_mem>>)
      %dma_wait3A = arith.constant 0 : i32
      %dma_wait3A_47 = tpu.memref_slice %arg6[%scan3A_41, %dma_wait3A] : memref<160x128xi32, #tpu.memory_space<vmem>> -> memref<1x128xi32, #tpu.memory_space<vmem>>
      %dma_wait3A_48 = tpu.memref_squeeze %dma_wait3A_47 : memref<1x128xi32, #tpu.memory_space<vmem>> -> memref<128xi32, #tpu.memory_space<vmem>>
      %dma_wait3A_49 = arith.constant 0 : i32
      %dma_wait3A_50 = arith.constant 0 : i32
      %dma_wait3A_51 = tpu.memref_slice %arg2[%dma_wait3A_49, %dma_wait3A_50] : memref<10240x128xf32, #tpu.memory_space<hbm>> -> memref<10240x128xf32, #tpu.memory_space<hbm>>
      tpu.wait_indirect_dma semaphore(%arg12 : memref<!tpu.dma_semaphore, #tpu.memory_space<semaphore_mem>>) src(%dma_wait3A_51 : memref<10240x128xf32, #tpu.memory_space<hbm>>) dst(%arg8 : memref<128x128xf32, #tpu.memory_space<vmem>>)
      "tpu.region"() ({
        %run_scoped3A_52 = tpu.sem_alloc : memref<!tpu.dma_semaphore, #tpu.memory_space<semaphore_mem>>
        %dma_start3A_53 = arith.constant 0 : i32
        %dma_start3A_54 = tpu.memref_slice %arg7[%scan3A_41, %dma_start3A_53] : memref<160x128xi32, #tpu.memory_space<vmem>> -> memref<1x128xi32, #tpu.memory_space<vmem>>
        %dma_start3A_55 = tpu.memref_squeeze %dma_start3A_54 : memref<1x128xi32, #tpu.memory_space<vmem>> -> memref<128xi32, #tpu.memory_space<vmem>>
        %dma_start3A_56 = arith.constant 0 : i32
        %dma_start3A_57 = arith.constant 0 : i32
        %dma_start3A_58 = tpu.memref_slice %arg11[%dma_start3A_56, %dma_start3A_57] : memref<2688x128xf32, #tpu.memory_space<vmem_shared>> -> memref<2688x128xf32, #tpu.memory_space<vmem_shared>>
        tpu.enqueue_indirect_dma source(%arg8 : memref<128x128xf32, #tpu.memory_space<vmem>>) target(%dma_start3A_58 : memref<2688x128xf32, #tpu.memory_space<vmem_shared>>) offsets(%dma_start3A_55 : memref<128xi32, #tpu.memory_space<vmem>>) semaphore(%run_scoped3A_52 : memref<!tpu.dma_semaphore, #tpu.memory_space<semaphore_mem>>) {add = true}
        %dma_wait3A_59 = arith.constant 0 : i32
        %dma_wait3A_60 = tpu.memref_slice %arg7[%scan3A_41, %dma_wait3A_59] : memref<160x128xi32, #tpu.memory_space<vmem>> -> memref<1x128xi32, #tpu.memory_space<vmem>>
        %dma_wait3A_61 = tpu.memref_squeeze %dma_wait3A_60 : memref<1x128xi32, #tpu.memory_space<vmem>> -> memref<128xi32, #tpu.memory_space<vmem>>
        %dma_wait3A_62 = arith.constant 0 : i32
        %dma_wait3A_63 = arith.constant 0 : i32
        %dma_wait3A_64 = tpu.memref_slice %arg11[%dma_wait3A_62, %dma_wait3A_63] : memref<2688x128xf32, #tpu.memory_space<vmem_shared>> -> memref<2688x128xf32, #tpu.memory_space<vmem_shared>>
        tpu.wait_indirect_dma semaphore(%run_scoped3A_52 : memref<!tpu.dma_semaphore, #tpu.memory_space<semaphore_mem>>) src(%arg8 : memref<128x128xf32, #tpu.memory_space<vmem>>) dst(%dma_wait3A_64 : memref<2688x128xf32, #tpu.memory_space<vmem_shared>>)
        tpu.yield
      }) : () -> ()
    }
    %scan3A_38 = arith.constant 160 : i32
    %barrier3A_39 = arith.constant 0 : index
    tpu.barrier barrier_id(%barrier3A_39)
    "tpu.region"() ({
      %run_scoped3A_41 = tpu.sem_alloc : memref<!tpu.dma_semaphore, #tpu.memory_space<semaphore_mem>>
      %dma_start3A = arith.constant 0 : i32
      %dma_start3A_42 = tpu.memref_slice %arg11[%multiple_of3A, %dma_start3A] : memref<2688x128xf32, #tpu.memory_space<vmem_shared>> -> memref<160x128xf32, #tpu.memory_space<vmem_shared>>
      %dma_start3A_43 = arith.constant 0 : i32
      %dma_start3A_44 = tpu.memref_slice %arg11[%multiple_of3A, %dma_start3A_43] : memref<2688x128xf32, #tpu.memory_space<vmem_shared>> -> memref<160x128xf32, #tpu.memory_space<vmem_shared>>
      tpu.enqueue_dma source(%dma_start3A_44 : memref<160x128xf32, #tpu.memory_space<vmem_shared>>) target(%arg10 : memref<160x128xf32, #tpu.memory_space<vmem>>) target_semaphore(%run_scoped3A_41 : memref<!tpu.dma_semaphore, #tpu.memory_space<semaphore_mem>>)
      %dma_wait3A = arith.constant 0 : i32
      %dma_wait3A_45 = tpu.memref_slice %arg11[%multiple_of3A, %dma_wait3A] : memref<2688x128xf32, #tpu.memory_space<vmem_shared>> -> memref<160x128xf32, #tpu.memory_space<vmem_shared>>
      %dma_wait3A_46 = arith.constant 0 : i32
      %dma_wait3A_47 = tpu.memref_slice %arg11[%multiple_of3A, %dma_wait3A_46] : memref<2688x128xf32, #tpu.memory_space<vmem_shared>> -> memref<160x128xf32, #tpu.memory_space<vmem_shared>>
      tpu.wait_dma2 semaphore(%run_scoped3A_41 : memref<!tpu.dma_semaphore, #tpu.memory_space<semaphore_mem>>) src(%dma_wait3A_47 : memref<160x128xf32, #tpu.memory_space<vmem_shared>>) dst(%arg10 : memref<160x128xf32, #tpu.memory_space<vmem>>)
      tpu.yield
    }) : () -> ()
    "tpu.region"() ({
      %run_scoped3A_41 = tpu.sem_alloc : memref<!tpu.dma_semaphore, #tpu.memory_space<semaphore_mem>>
      %dma_start3A = arith.constant 0 : i32
      %dma_start3A_42 = tpu.memref_slice %arg5[%multiple_of3A_30, %dma_start3A] : memref<10240x128xf32, #tpu.memory_space<hbm>> -> memref<160x128xf32, #tpu.memory_space<hbm>>
      %dma_start3A_43 = arith.constant 0 : i32
      %dma_start3A_44 = tpu.memref_slice %arg5[%multiple_of3A_30, %dma_start3A_43] : memref<10240x128xf32, #tpu.memory_space<hbm>> -> memref<160x128xf32, #tpu.memory_space<hbm>>
      tpu.enqueue_dma source(%arg10 : memref<160x128xf32, #tpu.memory_space<vmem>>) target(%dma_start3A_44 : memref<160x128xf32, #tpu.memory_space<hbm>>) target_semaphore(%run_scoped3A_41 : memref<!tpu.dma_semaphore, #tpu.memory_space<semaphore_mem>>)
      %dma_wait3A = arith.constant 0 : i32
      %dma_wait3A_45 = tpu.memref_slice %arg5[%multiple_of3A_30, %dma_wait3A] : memref<10240x128xf32, #tpu.memory_space<hbm>> -> memref<160x128xf32, #tpu.memory_space<hbm>>
      %dma_wait3A_46 = arith.constant 0 : i32
      %dma_wait3A_47 = tpu.memref_slice %arg5[%multiple_of3A_30, %dma_wait3A_46] : memref<10240x128xf32, #tpu.memory_space<hbm>> -> memref<160x128xf32, #tpu.memory_space<hbm>>
      tpu.wait_dma2 semaphore(%run_scoped3A_41 : memref<!tpu.dma_semaphore, #tpu.memory_space<semaphore_mem>>) src(%arg10 : memref<160x128xf32, #tpu.memory_space<vmem>>) dst(%dma_wait3A_47 : memref<160x128xf32, #tpu.memory_space<hbm>>)
      tpu.yield
    }) : () -> ()
    %barrier3A_40 = arith.constant 0 : index
    tpu.barrier barrier_id(%barrier3A_40)
    return
  }
}

#map = affine_map<(d0, d1) -> (0, 0)>
#map1 = affine_map<(d0, d1) -> (0, 0, 0)>
#map2 = affine_map<(d0, d1) -> (0, 0, 0, 0, 0)>
module attributes {stable_mosaic.version = 14 : i64} {
  func.func @_sc_agg_body(%arg0: i32, %arg1: i32, %arg2: memref<10240x128xf32, #tpu.memory_space<hbm>>, %arg3: memref<16x160x128xi32, #tpu.memory_space<hbm>>, %arg4: memref<2x2x16x160x128xi32, #tpu.memory_space<hbm>>, %arg5: memref<10240x128xf32, #tpu.memory_space<hbm>>, %arg6: memref<160x128xi32, #tpu.memory_space<vmem>>, %arg7: memref<160x128xi32, #tpu.memory_space<vmem>>, %arg8: memref<128x128xf32, #tpu.memory_space<vmem>>, %arg9: memref<160x128xf32, #tpu.memory_space<vmem>>, %arg10: memref<160x128xf32, #tpu.memory_space<vmem>>, %arg11: memref<2688x128xf32, #tpu.memory_space<vmem_shared>>, %arg12: memref<!tpu.dma_semaphore, #tpu.memory_space<semaphore_mem>>) attributes {dimension_semantics = [#tpu.dimension_semantics<core_parallel>, #tpu.dimension_semantics<subcore_parallel>], iteration_bounds = array<i64: 2, 16>, scalar_prefetch = 0 : i64, scratch_operands = 7 : i64, tpu.core_type = #tpu.core_type<sc_vector_subcore>, window_params = [{transform_indices = #map}, {transform_indices = #map1}, {transform_indices = #map2}, {transform_indices = #map}]} {
    %scan3A = arith.constant 0 : i32
    %scan3A_0 = arith.constant 0 : i32
    %scan3A_1 = arith.constant 160 : i32
    %scan3A_2 = arith.addi %scan3A_0, %scan3A_1 : i32
    %scan3A_3 = arith.constant 1 : i32
    scf.for %scan3A_41 = %scan3A_0 to %scan3A_2 step %scan3A_3  : i32 {
      %scan3A_42 = arith.constant 0 : i32
      %scan3A_43 = arith.constant 8 : i32
      %scan3A_44 = arith.addi %scan3A_42, %scan3A_43 : i32
      %scan3A_45 = arith.constant 1 : i32
      scf.for %scan3A_47 = %scan3A_42 to %scan3A_44 step %scan3A_45  : i32 {
        %broadcast_in_dim3A = arith.constant 0.000000e+00 : f32
        %broadcast_in_dim3A_48 = vector.broadcast %broadcast_in_dim3A : f32 to vector<16xf32>
        %mul3A_49 = arith.constant 16 : i32
        %mul3A_50 = arith.muli %scan3A_47, %mul3A_49 : i32
        %swap3A = arith.index_cast %scan3A_41 : i32 to index
        %swap3A_51 = arith.index_cast %mul3A_50 : i32 to index
        %swap3A_52 = tpu.vector_load %arg9[%swap3A, %swap3A_51] {strides = array<i32>} : memref<160x128xf32, #tpu.memory_space<vmem>>, vector<1x16xf32>,
        %swap3A_53 = vector.shape_cast %swap3A_52 : vector<1x16xf32> to vector<16xf32>
        %swap3A_54 = vector.shape_cast %broadcast_in_dim3A_48 : vector<16xf32> to vector<1x16xf32>
        tpu.vector_store %arg9[%swap3A, %swap3A_51], %swap3A_54 {strides = array<i32>} : memref<160x128xf32, #tpu.memory_space<vmem>>, vector<1x16xf32>,
      }
      %scan3A_46 = arith.constant 8 : i32
    }
    %scan3A_4 = arith.constant 160 : i32
    %mul3A = arith.constant 160 : i32
    %mul3A_5 = arith.muli %arg1, %mul3A : i32
    %multiple_of3A = tpu.assume_multiple %mul3A_5, 8 : i32
    "tpu.region"() ({
      %run_scoped3A_41 = tpu.sem_alloc : memref<!tpu.dma_semaphore, #tpu.memory_space<semaphore_mem>>
      %dma_start3A = arith.constant 0 : i32
      %dma_start3A_42 = arith.constant 0 : i32
      %dma_start3A_43 = tpu.memref_slice %arg3[%arg1, %dma_start3A, %dma_start3A_42] : memref<16x160x128xi32, #tpu.memory_space<hbm>> -> memref<1x160x128xi32, #tpu.memory_space<hbm>>
      %dma_start3A_44 = tpu.memref_squeeze %dma_start3A_43 : memref<1x160x128xi32, #tpu.memory_space<hbm>> -> memref<160x128xi32, #tpu.memory_space<hbm>>
      %dma_start3A_45 = arith.constant 0 : i32
      %dma_start3A_46 = arith.constant 0 : i32
      %dma_start3A_47 = tpu.memref_slice %arg3[%arg1, %dma_start3A_45, %dma_start3A_46] : memref<16x160x128xi32, #tpu.memory_space<hbm>> -> memref<1x160x128xi32, #tpu.memory_space<hbm>>
      %dma_start3A_48 = tpu.memref_squeeze %dma_start3A_47 : memref<1x160x128xi32, #tpu.memory_space<hbm>> -> memref<160x128xi32, #tpu.memory_space<hbm>>
      tpu.enqueue_dma source(%dma_start3A_48 : memref<160x128xi32, #tpu.memory_space<hbm>>) target(%arg6 : memref<160x128xi32, #tpu.memory_space<vmem>>) target_semaphore(%run_scoped3A_41 : memref<!tpu.dma_semaphore, #tpu.memory_space<semaphore_mem>>)
      %dma_wait3A = arith.constant 0 : i32
      %dma_wait3A_49 = arith.constant 0 : i32
      %dma_wait3A_50 = tpu.memref_slice %arg3[%arg1, %dma_wait3A, %dma_wait3A_49] : memref<16x160x128xi32, #tpu.memory_space<hbm>> -> memref<1x160x128xi32, #tpu.memory_space<hbm>>
      %dma_wait3A_51 = tpu.memref_squeeze %dma_wait3A_50 : memref<1x160x128xi32, #tpu.memory_space<hbm>> -> memref<160x128xi32, #tpu.memory_space<hbm>>
      %dma_wait3A_52 = arith.constant 0 : i32
      %dma_wait3A_53 = arith.constant 0 : i32
      %dma_wait3A_54 = tpu.memref_slice %arg3[%arg1, %dma_wait3A_52, %dma_wait3A_53] : memref<16x160x128xi32, #tpu.memory_space<hbm>> -> memref<1x160x128xi32, #tpu.memory_space<hbm>>
      %dma_wait3A_55 = tpu.memref_squeeze %dma_wait3A_54 : memref<1x160x128xi32, #tpu.memory_space<hbm>> -> memref<160x128xi32, #tpu.memory_space<hbm>>
      tpu.wait_dma2 semaphore(%run_scoped3A_41 : memref<!tpu.dma_semaphore, #tpu.memory_space<semaphore_mem>>) src(%dma_wait3A_55 : memref<160x128xi32, #tpu.memory_space<hbm>>) dst(%arg6 : memref<160x128xi32, #tpu.memory_space<vmem>>)
      tpu.yield
    }) : () -> ()
    %mul3A_6 = arith.constant 2560 : i32
    %mul3A_7 = arith.muli %arg0, %mul3A_6 : i32
    %add3A = arith.constant 0 : i32
    %add3A_8 = arith.addi %add3A, %mul3A_7 : i32
    %multiple_of3A_9 = tpu.assume_multiple %add3A_8, 2560 : i32
    %mul3A_10 = arith.constant 160 : i32
    %mul3A_11 = arith.muli %arg1, %mul3A_10 : i32
    %add3A_12 = arith.addi %multiple_of3A_9, %mul3A_11 : i32
    %multiple_of3A_13 = tpu.assume_multiple %add3A_12, 8 : i32
    %run_scoped3A = arith.constant 0 : i32
    "tpu.region"() ({
      %run_scoped3A_41 = tpu.sem_alloc : memref<!tpu.dma_semaphore, #tpu.memory_space<semaphore_mem>>
      %dma_start3A = arith.constant 0 : i32
      %dma_start3A_42 = arith.constant 0 : i32
      %dma_start3A_43 = tpu.memref_slice %arg4[%run_scoped3A, %arg0, %arg1, %dma_start3A, %dma_start3A_42] : memref<2x2x16x160x128xi32, #tpu.memory_space<hbm>> -> memref<1x1x1x160x128xi32, #tpu.memory_space<hbm>>
      %dma_start3A_44 = tpu.memref_squeeze %dma_start3A_43 : memref<1x1x1x160x128xi32, #tpu.memory_space<hbm>> -> memref<160x128xi32, #tpu.memory_space<hbm>>
      %dma_start3A_45 = arith.constant 0 : i32
      %dma_start3A_46 = arith.constant 0 : i32
      %dma_start3A_47 = tpu.memref_slice %arg4[%run_scoped3A, %arg0, %arg1, %dma_start3A_45, %dma_start3A_46] : memref<2x2x16x160x128xi32, #tpu.memory_space<hbm>> -> memref<1x1x1x160x128xi32, #tpu.memory_space<hbm>>
      %dma_start3A_48 = tpu.memref_squeeze %dma_start3A_47 : memref<1x1x1x160x128xi32, #tpu.memory_space<hbm>> -> memref<160x128xi32, #tpu.memory_space<hbm>>
      tpu.enqueue_dma source(%dma_start3A_48 : memref<160x128xi32, #tpu.memory_space<hbm>>) target(%arg7 : memref<160x128xi32, #tpu.memory_space<vmem>>) target_semaphore(%run_scoped3A_41 : memref<!tpu.dma_semaphore, #tpu.memory_space<semaphore_mem>>)
      %dma_wait3A = arith.constant 0 : i32
      %dma_wait3A_49 = arith.constant 0 : i32
      %dma_wait3A_50 = tpu.memref_slice %arg4[%run_scoped3A, %arg0, %arg1, %dma_wait3A, %dma_wait3A_49] : memref<2x2x16x160x128xi32, #tpu.memory_space<hbm>> -> memref<1x1x1x160x128xi32, #tpu.memory_space<hbm>>
      %dma_wait3A_51 = tpu.memref_squeeze %dma_wait3A_50 : memref<1x1x1x160x128xi32, #tpu.memory_space<hbm>> -> memref<160x128xi32, #tpu.memory_space<hbm>>
      %dma_wait3A_52 = arith.constant 0 : i32
      %dma_wait3A_53 = arith.constant 0 : i32
      %dma_wait3A_54 = tpu.memref_slice %arg4[%run_scoped3A, %arg0, %arg1, %dma_wait3A_52, %dma_wait3A_53] : memref<2x2x16x160x128xi32, #tpu.memory_space<hbm>> -> memref<1x1x1x160x128xi32, #tpu.memory_space<hbm>>
      %dma_wait3A_55 = tpu.memref_squeeze %dma_wait3A_54 : memref<1x1x1x160x128xi32, #tpu.memory_space<hbm>> -> memref<160x128xi32, #tpu.memory_space<hbm>>
      tpu.wait_dma2 semaphore(%run_scoped3A_41 : memref<!tpu.dma_semaphore, #tpu.memory_space<semaphore_mem>>) src(%dma_wait3A_55 : memref<160x128xi32, #tpu.memory_space<hbm>>) dst(%arg7 : memref<160x128xi32, #tpu.memory_space<vmem>>)
      tpu.yield
    }) : () -> ()
    "tpu.region"() ({
      %run_scoped3A_41 = tpu.sem_alloc : memref<!tpu.dma_semaphore, #tpu.memory_space<semaphore_mem>>
      %dma_start3A = arith.constant 0 : i32
      %dma_start3A_42 = tpu.memref_slice %arg11[%multiple_of3A, %dma_start3A] : memref<2688x128xf32, #tpu.memory_space<vmem_shared>> -> memref<160x128xf32, #tpu.memory_space<vmem_shared>>
      %dma_start3A_43 = arith.constant 0 : i32
      %dma_start3A_44 = tpu.memref_slice %arg11[%multiple_of3A, %dma_start3A_43] : memref<2688x128xf32, #tpu.memory_space<vmem_shared>> -> memref<160x128xf32, #tpu.memory_space<vmem_shared>>
      tpu.enqueue_dma source(%arg9 : memref<160x128xf32, #tpu.memory_space<vmem>>) target(%dma_start3A_44 : memref<160x128xf32, #tpu.memory_space<vmem_shared>>) target_semaphore(%run_scoped3A_41 : memref<!tpu.dma_semaphore, #tpu.memory_space<semaphore_mem>>)
      %dma_wait3A = arith.constant 0 : i32
      %dma_wait3A_45 = tpu.memref_slice %arg11[%multiple_of3A, %dma_wait3A] : memref<2688x128xf32, #tpu.memory_space<vmem_shared>> -> memref<160x128xf32, #tpu.memory_space<vmem_shared>>
      %dma_wait3A_46 = arith.constant 0 : i32
      %dma_wait3A_47 = tpu.memref_slice %arg11[%multiple_of3A, %dma_wait3A_46] : memref<2688x128xf32, #tpu.memory_space<vmem_shared>> -> memref<160x128xf32, #tpu.memory_space<vmem_shared>>
      tpu.wait_dma2 semaphore(%run_scoped3A_41 : memref<!tpu.dma_semaphore, #tpu.memory_space<semaphore_mem>>) src(%arg9 : memref<160x128xf32, #tpu.memory_space<vmem>>) dst(%dma_wait3A_47 : memref<160x128xf32, #tpu.memory_space<vmem_shared>>)
      tpu.yield
    }) : () -> ()
    %barrier3A = arith.constant 0 : index
    tpu.barrier barrier_id(%barrier3A)
    %scan3A_14 = arith.constant 0 : i32
    %scan3A_15 = arith.constant 0 : i32
    %scan3A_16 = arith.constant 160 : i32
    %scan3A_17 = arith.addi %scan3A_15, %scan3A_16 : i32
    %scan3A_18 = arith.constant 1 : i32
    scf.for %scan3A_41 = %scan3A_15 to %scan3A_17 step %scan3A_18  : i32 {
      %dma_start3A = arith.constant 0 : i32
      %dma_start3A_42 = tpu.memref_slice %arg6[%scan3A_41, %dma_start3A] : memref<160x128xi32, #tpu.memory_space<vmem>> -> memref<1x128xi32, #tpu.memory_space<vmem>>
      %dma_start3A_43 = tpu.memref_squeeze %dma_start3A_42 : memref<1x128xi32, #tpu.memory_space<vmem>> -> memref<128xi32, #tpu.memory_space<vmem>>
      %dma_start3A_44 = arith.constant 0 : i32
      %dma_start3A_45 = arith.constant 0 : i32
      %dma_start3A_46 = tpu.memref_slice %arg2[%dma_start3A_44, %dma_start3A_45] : memref<10240x128xf32, #tpu.memory_space<hbm>> -> memref<10240x128xf32, #tpu.memory_space<hbm>>
      tpu.enqueue_indirect_dma source(%dma_start3A_46 : memref<10240x128xf32, #tpu.memory_space<hbm>>) target(%arg8 : memref<128x128xf32, #tpu.memory_space<vmem>>) offsets(%dma_start3A_43 : memref<128xi32, #tpu.memory_space<vmem>>) semaphore(%arg12 : memref<!tpu.dma_semaphore, #tpu.memory_space<semaphore_mem>>)
      %dma_wait3A = arith.constant 0 : i32
      %dma_wait3A_47 = tpu.memref_slice %arg6[%scan3A_41, %dma_wait3A] : memref<160x128xi32, #tpu.memory_space<vmem>> -> memref<1x128xi32, #tpu.memory_space<vmem>>
      %dma_wait3A_48 = tpu.memref_squeeze %dma_wait3A_47 : memref<1x128xi32, #tpu.memory_space<vmem>> -> memref<128xi32, #tpu.memory_space<vmem>>
      %dma_wait3A_49 = arith.constant 0 : i32
      %dma_wait3A_50 = arith.constant 0 : i32
      %dma_wait3A_51 = tpu.memref_slice %arg2[%dma_wait3A_49, %dma_wait3A_50] : memref<10240x128xf32, #tpu.memory_space<hbm>> -> memref<10240x128xf32, #tpu.memory_space<hbm>>
      tpu.wait_indirect_dma semaphore(%arg12 : memref<!tpu.dma_semaphore, #tpu.memory_space<semaphore_mem>>) src(%dma_wait3A_51 : memref<10240x128xf32, #tpu.memory_space<hbm>>) dst(%arg8 : memref<128x128xf32, #tpu.memory_space<vmem>>)
      "tpu.region"() ({
        %run_scoped3A_52 = tpu.sem_alloc : memref<!tpu.dma_semaphore, #tpu.memory_space<semaphore_mem>>
        %dma_start3A_53 = arith.constant 0 : i32
        %dma_start3A_54 = tpu.memref_slice %arg7[%scan3A_41, %dma_start3A_53] : memref<160x128xi32, #tpu.memory_space<vmem>> -> memref<1x128xi32, #tpu.memory_space<vmem>>
        %dma_start3A_55 = tpu.memref_squeeze %dma_start3A_54 : memref<1x128xi32, #tpu.memory_space<vmem>> -> memref<128xi32, #tpu.memory_space<vmem>>
        %dma_start3A_56 = arith.constant 0 : i32
        %dma_start3A_57 = arith.constant 0 : i32
        %dma_start3A_58 = tpu.memref_slice %arg11[%dma_start3A_56, %dma_start3A_57] : memref<2688x128xf32, #tpu.memory_space<vmem_shared>> -> memref<2688x128xf32, #tpu.memory_space<vmem_shared>>
        tpu.enqueue_indirect_dma source(%arg8 : memref<128x128xf32, #tpu.memory_space<vmem>>) target(%dma_start3A_58 : memref<2688x128xf32, #tpu.memory_space<vmem_shared>>) offsets(%dma_start3A_55 : memref<128xi32, #tpu.memory_space<vmem>>) semaphore(%run_scoped3A_52 : memref<!tpu.dma_semaphore, #tpu.memory_space<semaphore_mem>>) {add = true}
        %dma_wait3A_59 = arith.constant 0 : i32
        %dma_wait3A_60 = tpu.memref_slice %arg7[%scan3A_41, %dma_wait3A_59] : memref<160x128xi32, #tpu.memory_space<vmem>> -> memref<1x128xi32, #tpu.memory_space<vmem>>
        %dma_wait3A_61 = tpu.memref_squeeze %dma_wait3A_60 : memref<1x128xi32, #tpu.memory_space<vmem>> -> memref<128xi32, #tpu.memory_space<vmem>>
        %dma_wait3A_62 = arith.constant 0 : i32
        %dma_wait3A_63 = arith.constant 0 : i32
        %dma_wait3A_64 = tpu.memref_slice %arg11[%dma_wait3A_62, %dma_wait3A_63] : memref<2688x128xf32, #tpu.memory_space<vmem_shared>> -> memref<2688x128xf32, #tpu.memory_space<vmem_shared>>
        tpu.wait_indirect_dma semaphore(%run_scoped3A_52 : memref<!tpu.dma_semaphore, #tpu.memory_space<semaphore_mem>>) src(%arg8 : memref<128x128xf32, #tpu.memory_space<vmem>>) dst(%dma_wait3A_64 : memref<2688x128xf32, #tpu.memory_space<vmem_shared>>)
        tpu.yield
      }) : () -> ()
    }
    %scan3A_19 = arith.constant 160 : i32
    %barrier3A_20 = arith.constant 0 : index
    tpu.barrier barrier_id(%barrier3A_20)
    "tpu.region"() ({
      %run_scoped3A_41 = tpu.sem_alloc : memref<!tpu.dma_semaphore, #tpu.memory_space<semaphore_mem>>
      %dma_start3A = arith.constant 0 : i32
      %dma_start3A_42 = tpu.memref_slice %arg11[%multiple_of3A, %dma_start3A] : memref<2688x128xf32, #tpu.memory_space<vmem_shared>> -> memref<160x128xf32, #tpu.memory_space<vmem_shared>>
      %dma_start3A_43 = arith.constant 0 : i32
      %dma_start3A_44 = tpu.memref_slice %arg11[%multiple_of3A, %dma_start3A_43] : memref<2688x128xf32, #tpu.memory_space<vmem_shared>> -> memref<160x128xf32, #tpu.memory_space<vmem_shared>>
      tpu.enqueue_dma source(%dma_start3A_44 : memref<160x128xf32, #tpu.memory_space<vmem_shared>>) target(%arg10 : memref<160x128xf32, #tpu.memory_space<vmem>>) target_semaphore(%run_scoped3A_41 : memref<!tpu.dma_semaphore, #tpu.memory_space<semaphore_mem>>)
      %dma_wait3A = arith.constant 0 : i32
      %dma_wait3A_45 = tpu.memref_slice %arg11[%multiple_of3A, %dma_wait3A] : memref<2688x128xf32, #tpu.memory_space<vmem_shared>> -> memref<160x128xf32, #tpu.memory_space<vmem_shared>>
      %dma_wait3A_46 = arith.constant 0 : i32
      %dma_wait3A_47 = tpu.memref_slice %arg11[%multiple_of3A, %dma_wait3A_46] : memref<2688x128xf32, #tpu.memory_space<vmem_shared>> -> memref<160x128xf32, #tpu.memory_space<vmem_shared>>
      tpu.wait_dma2 semaphore(%run_scoped3A_41 : memref<!tpu.dma_semaphore, #tpu.memory_space<semaphore_mem>>) src(%dma_wait3A_47 : memref<160x128xf32, #tpu.memory_space<vmem_shared>>) dst(%arg10 : memref<160x128xf32, #tpu.memory_space<vmem>>)
      tpu.yield
    }) : () -> ()
    "tpu.region"() ({
      %run_scoped3A_41 = tpu.sem_alloc : memref<!tpu.dma_semaphore, #tpu.memory_space<semaphore_mem>>
      %dma_start3A = arith.constant 0 : i32
      %dma_start3A_42 = tpu.memref_slice %arg5[%multiple_of3A_13, %dma_start3A] : memref<10240x128xf32, #tpu.memory_space<hbm>> -> memref<160x128xf32, #tpu.memory_space<hbm>>
      %dma_start3A_43 = arith.constant 0 : i32
      %dma_start3A_44 = tpu.memref_slice %arg5[%multiple_of3A_13, %dma_start3A_43] : memref<10240x128xf32, #tpu.memory_space<hbm>> -> memref<160x128xf32, #tpu.memory_space<hbm>>
      tpu.enqueue_dma source(%arg10 : memref<160x128xf32, #tpu.memory_space<vmem>>) target(%dma_start3A_44 : memref<160x128xf32, #tpu.memory_space<hbm>>) target_semaphore(%run_scoped3A_41 : memref<!tpu.dma_semaphore, #tpu.memory_space<semaphore_mem>>)
      %dma_wait3A = arith.constant 0 : i32
      %dma_wait3A_45 = tpu.memref_slice %arg5[%multiple_of3A_13, %dma_wait3A] : memref<10240x128xf32, #tpu.memory_space<hbm>> -> memref<160x128xf32, #tpu.memory_space<hbm>>
      %dma_wait3A_46 = arith.constant 0 : i32
      %dma_wait3A_47 = tpu.memref_slice %arg5[%multiple_of3A_13, %dma_wait3A_46] : memref<10240x128xf32, #tpu.memory_space<hbm>> -> memref<160x128xf32, #tpu.memory_space<hbm>>
      tpu.wait_dma2 semaphore(%run_scoped3A_41 : memref<!tpu.dma_semaphore, #tpu.memory_space<semaphore_mem>>) src(%arg10 : memref<160x128xf32, #tpu.memory_space<vmem>>) dst(%dma_wait3A_47 : memref<160x128xf32, #tpu.memory_space<hbm>>)
      tpu.yield
    }) : () -> ()
    %barrier3A_21 = arith.constant 0 : index
    tpu.barrier barrier_id(%barrier3A_21)
    %mul3A_22 = arith.constant 2560 : i32
    %mul3A_23 = arith.muli %arg0, %mul3A_22 : i32
    %add3A_24 = arith.constant 5120 : i32
    %add3A_25 = arith.addi %add3A_24, %mul3A_23 : i32
    %multiple_of3A_26 = tpu.assume_multiple %add3A_25, 2560 : i32
    %mul3A_27 = arith.constant 160 : i32
    %mul3A_28 = arith.muli %arg1, %mul3A_27 : i32
    %add3A_29 = arith.addi %multiple_of3A_26, %mul3A_28 : i32
    %multiple_of3A_30 = tpu.assume_multiple %add3A_29, 8 : i32
    %run_scoped3A_31 = arith.constant 1 : i32
    "tpu.region"() ({
      %run_scoped3A_41 = tpu.sem_alloc : memref<!tpu.dma_semaphore, #tpu.memory_space<semaphore_mem>>
      %dma_start3A = arith.constant 0 : i32
      %dma_start3A_42 = arith.constant 0 : i32
      %dma_start3A_43 = tpu.memref_slice %arg4[%run_scoped3A_31, %arg0, %arg1, %dma_start3A, %dma_start3A_42] : memref<2x2x16x160x128xi32, #tpu.memory_space<hbm>> -> memref<1x1x1x160x128xi32, #tpu.memory_space<hbm>>
      %dma_start3A_44 = tpu.memref_squeeze %dma_start3A_43 : memref<1x1x1x160x128xi32, #tpu.memory_space<hbm>> -> memref<160x128xi32, #tpu.memory_space<hbm>>
      %dma_start3A_45 = arith.constant 0 : i32
      %dma_start3A_46 = arith.constant 0 : i32
      %dma_start3A_47 = tpu.memref_slice %arg4[%run_scoped3A_31, %arg0, %arg1, %dma_start3A_45, %dma_start3A_46] : memref<2x2x16x160x128xi32, #tpu.memory_space<hbm>> -> memref<1x1x1x160x128xi32, #tpu.memory_space<hbm>>
      %dma_start3A_48 = tpu.memref_squeeze %dma_start3A_47 : memref<1x1x1x160x128xi32, #tpu.memory_space<hbm>> -> memref<160x128xi32, #tpu.memory_space<hbm>>
      tpu.enqueue_dma source(%dma_start3A_48 : memref<160x128xi32, #tpu.memory_space<hbm>>) target(%arg7 : memref<160x128xi32, #tpu.memory_space<vmem>>) target_semaphore(%run_scoped3A_41 : memref<!tpu.dma_semaphore, #tpu.memory_space<semaphore_mem>>)
      %dma_wait3A = arith.constant 0 : i32
      %dma_wait3A_49 = arith.constant 0 : i32
      %dma_wait3A_50 = tpu.memref_slice %arg4[%run_scoped3A_31, %arg0, %arg1, %dma_wait3A, %dma_wait3A_49] : memref<2x2x16x160x128xi32, #tpu.memory_space<hbm>> -> memref<1x1x1x160x128xi32, #tpu.memory_space<hbm>>
      %dma_wait3A_51 = tpu.memref_squeeze %dma_wait3A_50 : memref<1x1x1x160x128xi32, #tpu.memory_space<hbm>> -> memref<160x128xi32, #tpu.memory_space<hbm>>
      %dma_wait3A_52 = arith.constant 0 : i32
      %dma_wait3A_53 = arith.constant 0 : i32
      %dma_wait3A_54 = tpu.memref_slice %arg4[%run_scoped3A_31, %arg0, %arg1, %dma_wait3A_52, %dma_wait3A_53] : memref<2x2x16x160x128xi32, #tpu.memory_space<hbm>> -> memref<1x1x1x160x128xi32, #tpu.memory_space<hbm>>
      %dma_wait3A_55 = tpu.memref_squeeze %dma_wait3A_54 : memref<1x1x1x160x128xi32, #tpu.memory_space<hbm>> -> memref<160x128xi32, #tpu.memory_space<hbm>>
      tpu.wait_dma2 semaphore(%run_scoped3A_41 : memref<!tpu.dma_semaphore, #tpu.memory_space<semaphore_mem>>) src(%dma_wait3A_55 : memref<160x128xi32, #tpu.memory_space<hbm>>) dst(%arg7 : memref<160x128xi32, #tpu.memory_space<vmem>>)
      tpu.yield
    }) : () -> ()
    "tpu.region"() ({
      %run_scoped3A_41 = tpu.sem_alloc : memref<!tpu.dma_semaphore, #tpu.memory_space<semaphore_mem>>
      %dma_start3A = arith.constant 0 : i32
      %dma_start3A_42 = tpu.memref_slice %arg11[%multiple_of3A, %dma_start3A] : memref<2688x128xf32, #tpu.memory_space<vmem_shared>> -> memref<160x128xf32, #tpu.memory_space<vmem_shared>>
      %dma_start3A_43 = arith.constant 0 : i32
      %dma_start3A_44 = tpu.memref_slice %arg11[%multiple_of3A, %dma_start3A_43] : memref<2688x128xf32, #tpu.memory_space<vmem_shared>> -> memref<160x128xf32, #tpu.memory_space<vmem_shared>>
      tpu.enqueue_dma source(%arg9 : memref<160x128xf32, #tpu.memory_space<vmem>>) target(%dma_start3A_44 : memref<160x128xf32, #tpu.memory_space<vmem_shared>>) target_semaphore(%run_scoped3A_41 : memref<!tpu.dma_semaphore, #tpu.memory_space<semaphore_mem>>)
      %dma_wait3A = arith.constant 0 : i32
      %dma_wait3A_45 = tpu.memref_slice %arg11[%multiple_of3A, %dma_wait3A] : memref<2688x128xf32, #tpu.memory_space<vmem_shared>> -> memref<160x128xf32, #tpu.memory_space<vmem_shared>>
      %dma_wait3A_46 = arith.constant 0 : i32
      %dma_wait3A_47 = tpu.memref_slice %arg11[%multiple_of3A, %dma_wait3A_46] : memref<2688x128xf32, #tpu.memory_space<vmem_shared>> -> memref<160x128xf32, #tpu.memory_space<vmem_shared>>
      tpu.wait_dma2 semaphore(%run_scoped3A_41 : memref<!tpu.dma_semaphore, #tpu.memory_space<semaphore_mem>>) src(%arg9 : memref<160x128xf32, #tpu.memory_space<vmem>>) dst(%dma_wait3A_47 : memref<160x128xf32, #tpu.memory_space<vmem_shared>>)
      tpu.yield
    }) : () -> ()
    %barrier3A_32 = arith.constant 0 : index
    tpu.barrier barrier_id(%barrier3A_32)
    %scan3A_33 = arith.constant 0 : i32
    %scan3A_34 = arith.constant 0 : i32
    %scan3A_35 = arith.constant 160 : i32
    %scan3A_36 = arith.addi %scan3A_34, %scan3A_35 : i32
    %scan3A_37 = arith.constant 1 : i32
    scf.for %scan3A_41 = %scan3A_34 to %scan3A_36 step %scan3A_37  : i32 {
      %dma_start3A = arith.constant 0 : i32
      %dma_start3A_42 = tpu.memref_slice %arg6[%scan3A_41, %dma_start3A] : memref<160x128xi32, #tpu.memory_space<vmem>> -> memref<1x128xi32, #tpu.memory_space<vmem>>
      %dma_start3A_43 = tpu.memref_squeeze %dma_start3A_42 : memref<1x128xi32, #tpu.memory_space<vmem>> -> memref<128xi32, #tpu.memory_space<vmem>>
      %dma_start3A_44 = arith.constant 0 : i32
      %dma_start3A_45 = arith.constant 0 : i32
      %dma_start3A_46 = tpu.memref_slice %arg2[%dma_start3A_44, %dma_start3A_45] : memref<10240x128xf32, #tpu.memory_space<hbm>> -> memref<10240x128xf32, #tpu.memory_space<hbm>>
      tpu.enqueue_indirect_dma source(%dma_start3A_46 : memref<10240x128xf32, #tpu.memory_space<hbm>>) target(%arg8 : memref<128x128xf32, #tpu.memory_space<vmem>>) offsets(%dma_start3A_43 : memref<128xi32, #tpu.memory_space<vmem>>) semaphore(%arg12 : memref<!tpu.dma_semaphore, #tpu.memory_space<semaphore_mem>>)
      %dma_wait3A = arith.constant 0 : i32
      %dma_wait3A_47 = tpu.memref_slice %arg6[%scan3A_41, %dma_wait3A] : memref<160x128xi32, #tpu.memory_space<vmem>> -> memref<1x128xi32, #tpu.memory_space<vmem>>
      %dma_wait3A_48 = tpu.memref_squeeze %dma_wait3A_47 : memref<1x128xi32, #tpu.memory_space<vmem>> -> memref<128xi32, #tpu.memory_space<vmem>>
      %dma_wait3A_49 = arith.constant 0 : i32
      %dma_wait3A_50 = arith.constant 0 : i32
      %dma_wait3A_51 = tpu.memref_slice %arg2[%dma_wait3A_49, %dma_wait3A_50] : memref<10240x128xf32, #tpu.memory_space<hbm>> -> memref<10240x128xf32, #tpu.memory_space<hbm>>
      tpu.wait_indirect_dma semaphore(%arg12 : memref<!tpu.dma_semaphore, #tpu.memory_space<semaphore_mem>>) src(%dma_wait3A_51 : memref<10240x128xf32, #tpu.memory_space<hbm>>) dst(%arg8 : memref<128x128xf32, #tpu.memory_space<vmem>>)
      "tpu.region"() ({
        %run_scoped3A_52 = tpu.sem_alloc : memref<!tpu.dma_semaphore, #tpu.memory_space<semaphore_mem>>
        %dma_start3A_53 = arith.constant 0 : i32
        %dma_start3A_54 = tpu.memref_slice %arg7[%scan3A_41, %dma_start3A_53] : memref<160x128xi32, #tpu.memory_space<vmem>> -> memref<1x128xi32, #tpu.memory_space<vmem>>
        %dma_start3A_55 = tpu.memref_squeeze %dma_start3A_54 : memref<1x128xi32, #tpu.memory_space<vmem>> -> memref<128xi32, #tpu.memory_space<vmem>>
        %dma_start3A_56 = arith.constant 0 : i32
        %dma_start3A_57 = arith.constant 0 : i32
        %dma_start3A_58 = tpu.memref_slice %arg11[%dma_start3A_56, %dma_start3A_57] : memref<2688x128xf32, #tpu.memory_space<vmem_shared>> -> memref<2688x128xf32, #tpu.memory_space<vmem_shared>>
        tpu.enqueue_indirect_dma source(%arg8 : memref<128x128xf32, #tpu.memory_space<vmem>>) target(%dma_start3A_58 : memref<2688x128xf32, #tpu.memory_space<vmem_shared>>) offsets(%dma_start3A_55 : memref<128xi32, #tpu.memory_space<vmem>>) semaphore(%run_scoped3A_52 : memref<!tpu.dma_semaphore, #tpu.memory_space<semaphore_mem>>) {add = true}
        %dma_wait3A_59 = arith.constant 0 : i32
        %dma_wait3A_60 = tpu.memref_slice %arg7[%scan3A_41, %dma_wait3A_59] : memref<160x128xi32, #tpu.memory_space<vmem>> -> memref<1x128xi32, #tpu.memory_space<vmem>>
        %dma_wait3A_61 = tpu.memref_squeeze %dma_wait3A_60 : memref<1x128xi32, #tpu.memory_space<vmem>> -> memref<128xi32, #tpu.memory_space<vmem>>
        %dma_wait3A_62 = arith.constant 0 : i32
        %dma_wait3A_63 = arith.constant 0 : i32
        %dma_wait3A_64 = tpu.memref_slice %arg11[%dma_wait3A_62, %dma_wait3A_63] : memref<2688x128xf32, #tpu.memory_space<vmem_shared>> -> memref<2688x128xf32, #tpu.memory_space<vmem_shared>>
        tpu.wait_indirect_dma semaphore(%run_scoped3A_52 : memref<!tpu.dma_semaphore, #tpu.memory_space<semaphore_mem>>) src(%arg8 : memref<128x128xf32, #tpu.memory_space<vmem>>) dst(%dma_wait3A_64 : memref<2688x128xf32, #tpu.memory_space<vmem_shared>>)
        tpu.yield
      }) : () -> ()
    }
    %scan3A_38 = arith.constant 160 : i32
    %barrier3A_39 = arith.constant 0 : index
    tpu.barrier barrier_id(%barrier3A_39)
    "tpu.region"() ({
      %run_scoped3A_41 = tpu.sem_alloc : memref<!tpu.dma_semaphore, #tpu.memory_space<semaphore_mem>>
      %dma_start3A = arith.constant 0 : i32
      %dma_start3A_42 = tpu.memref_slice %arg11[%multiple_of3A, %dma_start3A] : memref<2688x128xf32, #tpu.memory_space<vmem_shared>> -> memref<160x128xf32, #tpu.memory_space<vmem_shared>>
      %dma_start3A_43 = arith.constant 0 : i32
      %dma_start3A_44 = tpu.memref_slice %arg11[%multiple_of3A, %dma_start3A_43] : memref<2688x128xf32, #tpu.memory_space<vmem_shared>> -> memref<160x128xf32, #tpu.memory_space<vmem_shared>>
      tpu.enqueue_dma source(%dma_start3A_44 : memref<160x128xf32, #tpu.memory_space<vmem_shared>>) target(%arg10 : memref<160x128xf32, #tpu.memory_space<vmem>>) target_semaphore(%run_scoped3A_41 : memref<!tpu.dma_semaphore, #tpu.memory_space<semaphore_mem>>)
      %dma_wait3A = arith.constant 0 : i32
      %dma_wait3A_45 = tpu.memref_slice %arg11[%multiple_of3A, %dma_wait3A] : memref<2688x128xf32, #tpu.memory_space<vmem_shared>> -> memref<160x128xf32, #tpu.memory_space<vmem_shared>>
      %dma_wait3A_46 = arith.constant 0 : i32
      %dma_wait3A_47 = tpu.memref_slice %arg11[%multiple_of3A, %dma_wait3A_46] : memref<2688x128xf32, #tpu.memory_space<vmem_shared>> -> memref<160x128xf32, #tpu.memory_space<vmem_shared>>
      tpu.wait_dma2 semaphore(%run_scoped3A_41 : memref<!tpu.dma_semaphore, #tpu.memory_space<semaphore_mem>>) src(%dma_wait3A_47 : memref<160x128xf32, #tpu.memory_space<vmem_shared>>) dst(%arg10 : memref<160x128xf32, #tpu.memory_space<vmem>>)
      tpu.yield
    }) : () -> ()
    "tpu.region"() ({
      %run_scoped3A_41 = tpu.sem_alloc : memref<!tpu.dma_semaphore, #tpu.memory_space<semaphore_mem>>
      %dma_start3A = arith.constant 0 : i32
      %dma_start3A_42 = tpu.memref_slice %arg5[%multiple_of3A_30, %dma_start3A] : memref<10240x128xf32, #tpu.memory_space<hbm>> -> memref<160x128xf32, #tpu.memory_space<hbm>>
      %dma_start3A_43 = arith.constant 0 : i32
      %dma_start3A_44 = tpu.memref_slice %arg5[%multiple_of3A_30, %dma_start3A_43] : memref<10240x128xf32, #tpu.memory_space<hbm>> -> memref<160x128xf32, #tpu.memory_space<hbm>>
      tpu.enqueue_dma source(%arg10 : memref<160x128xf32, #tpu.memory_space<vmem>>) target(%dma_start3A_44 : memref<160x128xf32, #tpu.memory_space<hbm>>) target_semaphore(%run_scoped3A_41 : memref<!tpu.dma_semaphore, #tpu.memory_space<semaphore_mem>>)
      %dma_wait3A = arith.constant 0 : i32
      %dma_wait3A_45 = tpu.memref_slice %arg5[%multiple_of3A_30, %dma_wait3A] : memref<10240x128xf32, #tpu.memory_space<hbm>> -> memref<160x128xf32, #tpu.memory_space<hbm>>
      %dma_wait3A_46 = arith.constant 0 : i32
      %dma_wait3A_47 = tpu.memref_slice %arg5[%multiple_of3A_30, %dma_wait3A_46] : memref<10240x128xf32, #tpu.memory_space<hbm>> -> memref<160x128xf32, #tpu.memory_space<hbm>>
      tpu.wait_dma2 semaphore(%run_scoped3A_41 : memref<!tpu.dma_semaphore, #tpu.memory_space<semaphore_mem>>) src(%arg10 : memref<160x128xf32, #tpu.memory_space<vmem>>) dst(%dma_wait3A_47 : memref<160x128xf32, #tpu.memory_space<hbm>>)
      tpu.yield
    }) : () -> ()
    %barrier3A_40 = arith.constant 0 : index
    tpu.barrier barrier_id(%barrier3A_40)
    return
  }
}

#map = affine_map<(d0, d1) -> (0, 0)>
#map1 = affine_map<(d0, d1) -> (0, 0, 0)>
#map2 = affine_map<(d0, d1) -> (0, 0, 0, 0, 0)>
module attributes {stable_mosaic.version = 14 : i64} {
  func.func @_sc_agg_body(%arg0: i32, %arg1: i32, %arg2: memref<10240x128xf32, #tpu.memory_space<hbm>>, %arg3: memref<16x160x128xi32, #tpu.memory_space<hbm>>, %arg4: memref<2x2x16x160x128xi32, #tpu.memory_space<hbm>>, %arg5: memref<10240x128xf32, #tpu.memory_space<hbm>>, %arg6: memref<160x128xi32, #tpu.memory_space<vmem>>, %arg7: memref<160x128xi32, #tpu.memory_space<vmem>>, %arg8: memref<128x128xf32, #tpu.memory_space<vmem>>, %arg9: memref<160x128xf32, #tpu.memory_space<vmem>>, %arg10: memref<160x128xf32, #tpu.memory_space<vmem>>, %arg11: memref<2688x128xf32, #tpu.memory_space<vmem_shared>>, %arg12: memref<!tpu.dma_semaphore, #tpu.memory_space<semaphore_mem>>) attributes {dimension_semantics = [#tpu.dimension_semantics<core_parallel>, #tpu.dimension_semantics<subcore_parallel>], iteration_bounds = array<i64: 2, 16>, scalar_prefetch = 0 : i64, scratch_operands = 7 : i64, tpu.core_type = #tpu.core_type<sc_vector_subcore>, window_params = [{transform_indices = #map}, {transform_indices = #map1}, {transform_indices = #map2}, {transform_indices = #map}]} {
    %scan3A = arith.constant 0 : i32
    %scan3A_0 = arith.constant 0 : i32
    %scan3A_1 = arith.constant 160 : i32
    %scan3A_2 = arith.addi %scan3A_0, %scan3A_1 : i32
    %scan3A_3 = arith.constant 1 : i32
    scf.for %scan3A_41 = %scan3A_0 to %scan3A_2 step %scan3A_3  : i32 {
      %scan3A_42 = arith.constant 0 : i32
      %scan3A_43 = arith.constant 8 : i32
      %scan3A_44 = arith.addi %scan3A_42, %scan3A_43 : i32
      %scan3A_45 = arith.constant 1 : i32
      scf.for %scan3A_47 = %scan3A_42 to %scan3A_44 step %scan3A_45  : i32 {
        %broadcast_in_dim3A = arith.constant 0.000000e+00 : f32
        %broadcast_in_dim3A_48 = vector.broadcast %broadcast_in_dim3A : f32 to vector<16xf32>
        %mul3A_49 = arith.constant 16 : i32
        %mul3A_50 = arith.muli %scan3A_47, %mul3A_49 : i32
        %swap3A = arith.index_cast %scan3A_41 : i32 to index
        %swap3A_51 = arith.index_cast %mul3A_50 : i32 to index
        %swap3A_52 = tpu.vector_load %arg9[%swap3A, %swap3A_51] {strides = array<i32>} : memref<160x128xf32, #tpu.memory_space<vmem>>, vector<1x16xf32>,
        %swap3A_53 = vector.shape_cast %swap3A_52 : vector<1x16xf32> to vector<16xf32>
        %swap3A_54 = vector.shape_cast %broadcast_in_dim3A_48 : vector<16xf32> to vector<1x16xf32>
        tpu.vector_store %arg9[%swap3A, %swap3A_51], %swap3A_54 {strides = array<i32>} : memref<160x128xf32, #tpu.memory_space<vmem>>, vector<1x16xf32>,
      }
      %scan3A_46 = arith.constant 8 : i32
    }
    %scan3A_4 = arith.constant 160 : i32
    %mul3A = arith.constant 160 : i32
    %mul3A_5 = arith.muli %arg1, %mul3A : i32
    %multiple_of3A = tpu.assume_multiple %mul3A_5, 8 : i32
    "tpu.region"() ({
      %run_scoped3A_41 = tpu.sem_alloc : memref<!tpu.dma_semaphore, #tpu.memory_space<semaphore_mem>>
      %dma_start3A = arith.constant 0 : i32
      %dma_start3A_42 = arith.constant 0 : i32
      %dma_start3A_43 = tpu.memref_slice %arg3[%arg1, %dma_start3A, %dma_start3A_42] : memref<16x160x128xi32, #tpu.memory_space<hbm>> -> memref<1x160x128xi32, #tpu.memory_space<hbm>>
      %dma_start3A_44 = tpu.memref_squeeze %dma_start3A_43 : memref<1x160x128xi32, #tpu.memory_space<hbm>> -> memref<160x128xi32, #tpu.memory_space<hbm>>
      %dma_start3A_45 = arith.constant 0 : i32
      %dma_start3A_46 = arith.constant 0 : i32
      %dma_start3A_47 = tpu.memref_slice %arg3[%arg1, %dma_start3A_45, %dma_start3A_46] : memref<16x160x128xi32, #tpu.memory_space<hbm>> -> memref<1x160x128xi32, #tpu.memory_space<hbm>>
      %dma_start3A_48 = tpu.memref_squeeze %dma_start3A_47 : memref<1x160x128xi32, #tpu.memory_space<hbm>> -> memref<160x128xi32, #tpu.memory_space<hbm>>
      tpu.enqueue_dma source(%dma_start3A_48 : memref<160x128xi32, #tpu.memory_space<hbm>>) target(%arg6 : memref<160x128xi32, #tpu.memory_space<vmem>>) target_semaphore(%run_scoped3A_41 : memref<!tpu.dma_semaphore, #tpu.memory_space<semaphore_mem>>)
      %dma_wait3A = arith.constant 0 : i32
      %dma_wait3A_49 = arith.constant 0 : i32
      %dma_wait3A_50 = tpu.memref_slice %arg3[%arg1, %dma_wait3A, %dma_wait3A_49] : memref<16x160x128xi32, #tpu.memory_space<hbm>> -> memref<1x160x128xi32, #tpu.memory_space<hbm>>
      %dma_wait3A_51 = tpu.memref_squeeze %dma_wait3A_50 : memref<1x160x128xi32, #tpu.memory_space<hbm>> -> memref<160x128xi32, #tpu.memory_space<hbm>>
      %dma_wait3A_52 = arith.constant 0 : i32
      %dma_wait3A_53 = arith.constant 0 : i32
      %dma_wait3A_54 = tpu.memref_slice %arg3[%arg1, %dma_wait3A_52, %dma_wait3A_53] : memref<16x160x128xi32, #tpu.memory_space<hbm>> -> memref<1x160x128xi32, #tpu.memory_space<hbm>>
      %dma_wait3A_55 = tpu.memref_squeeze %dma_wait3A_54 : memref<1x160x128xi32, #tpu.memory_space<hbm>> -> memref<160x128xi32, #tpu.memory_space<hbm>>
      tpu.wait_dma2 semaphore(%run_scoped3A_41 : memref<!tpu.dma_semaphore, #tpu.memory_space<semaphore_mem>>) src(%dma_wait3A_55 : memref<160x128xi32, #tpu.memory_space<hbm>>) dst(%arg6 : memref<160x128xi32, #tpu.memory_space<vmem>>)
      tpu.yield
    }) : () -> ()
    %mul3A_6 = arith.constant 2560 : i32
    %mul3A_7 = arith.muli %arg0, %mul3A_6 : i32
    %add3A = arith.constant 0 : i32
    %add3A_8 = arith.addi %add3A, %mul3A_7 : i32
    %multiple_of3A_9 = tpu.assume_multiple %add3A_8, 2560 : i32
    %mul3A_10 = arith.constant 160 : i32
    %mul3A_11 = arith.muli %arg1, %mul3A_10 : i32
    %add3A_12 = arith.addi %multiple_of3A_9, %mul3A_11 : i32
    %multiple_of3A_13 = tpu.assume_multiple %add3A_12, 8 : i32
    %run_scoped3A = arith.constant 0 : i32
    "tpu.region"() ({
      %run_scoped3A_41 = tpu.sem_alloc : memref<!tpu.dma_semaphore, #tpu.memory_space<semaphore_mem>>
      %dma_start3A = arith.constant 0 : i32
      %dma_start3A_42 = arith.constant 0 : i32
      %dma_start3A_43 = tpu.memref_slice %arg4[%run_scoped3A, %arg0, %arg1, %dma_start3A, %dma_start3A_42] : memref<2x2x16x160x128xi32, #tpu.memory_space<hbm>> -> memref<1x1x1x160x128xi32, #tpu.memory_space<hbm>>
      %dma_start3A_44 = tpu.memref_squeeze %dma_start3A_43 : memref<1x1x1x160x128xi32, #tpu.memory_space<hbm>> -> memref<160x128xi32, #tpu.memory_space<hbm>>
      %dma_start3A_45 = arith.constant 0 : i32
      %dma_start3A_46 = arith.constant 0 : i32
      %dma_start3A_47 = tpu.memref_slice %arg4[%run_scoped3A, %arg0, %arg1, %dma_start3A_45, %dma_start3A_46] : memref<2x2x16x160x128xi32, #tpu.memory_space<hbm>> -> memref<1x1x1x160x128xi32, #tpu.memory_space<hbm>>
      %dma_start3A_48 = tpu.memref_squeeze %dma_start3A_47 : memref<1x1x1x160x128xi32, #tpu.memory_space<hbm>> -> memref<160x128xi32, #tpu.memory_space<hbm>>
      tpu.enqueue_dma source(%dma_start3A_48 : memref<160x128xi32, #tpu.memory_space<hbm>>) target(%arg7 : memref<160x128xi32, #tpu.memory_space<vmem>>) target_semaphore(%run_scoped3A_41 : memref<!tpu.dma_semaphore, #tpu.memory_space<semaphore_mem>>)
      %dma_wait3A = arith.constant 0 : i32
      %dma_wait3A_49 = arith.constant 0 : i32
      %dma_wait3A_50 = tpu.memref_slice %arg4[%run_scoped3A, %arg0, %arg1, %dma_wait3A, %dma_wait3A_49] : memref<2x2x16x160x128xi32, #tpu.memory_space<hbm>> -> memref<1x1x1x160x128xi32, #tpu.memory_space<hbm>>
      %dma_wait3A_51 = tpu.memref_squeeze %dma_wait3A_50 : memref<1x1x1x160x128xi32, #tpu.memory_space<hbm>> -> memref<160x128xi32, #tpu.memory_space<hbm>>
      %dma_wait3A_52 = arith.constant 0 : i32
      %dma_wait3A_53 = arith.constant 0 : i32
      %dma_wait3A_54 = tpu.memref_slice %arg4[%run_scoped3A, %arg0, %arg1, %dma_wait3A_52, %dma_wait3A_53] : memref<2x2x16x160x128xi32, #tpu.memory_space<hbm>> -> memref<1x1x1x160x128xi32, #tpu.memory_space<hbm>>
      %dma_wait3A_55 = tpu.memref_squeeze %dma_wait3A_54 : memref<1x1x1x160x128xi32, #tpu.memory_space<hbm>> -> memref<160x128xi32, #tpu.memory_space<hbm>>
      tpu.wait_dma2 semaphore(%run_scoped3A_41 : memref<!tpu.dma_semaphore, #tpu.memory_space<semaphore_mem>>) src(%dma_wait3A_55 : memref<160x128xi32, #tpu.memory_space<hbm>>) dst(%arg7 : memref<160x128xi32, #tpu.memory_space<vmem>>)
      tpu.yield
    }) : () -> ()
    "tpu.region"() ({
      %run_scoped3A_41 = tpu.sem_alloc : memref<!tpu.dma_semaphore, #tpu.memory_space<semaphore_mem>>
      %dma_start3A = arith.constant 0 : i32
      %dma_start3A_42 = tpu.memref_slice %arg11[%multiple_of3A, %dma_start3A] : memref<2688x128xf32, #tpu.memory_space<vmem_shared>> -> memref<160x128xf32, #tpu.memory_space<vmem_shared>>
      %dma_start3A_43 = arith.constant 0 : i32
      %dma_start3A_44 = tpu.memref_slice %arg11[%multiple_of3A, %dma_start3A_43] : memref<2688x128xf32, #tpu.memory_space<vmem_shared>> -> memref<160x128xf32, #tpu.memory_space<vmem_shared>>
      tpu.enqueue_dma source(%arg9 : memref<160x128xf32, #tpu.memory_space<vmem>>) target(%dma_start3A_44 : memref<160x128xf32, #tpu.memory_space<vmem_shared>>) target_semaphore(%run_scoped3A_41 : memref<!tpu.dma_semaphore, #tpu.memory_space<semaphore_mem>>)
      %dma_wait3A = arith.constant 0 : i32
      %dma_wait3A_45 = tpu.memref_slice %arg11[%multiple_of3A, %dma_wait3A] : memref<2688x128xf32, #tpu.memory_space<vmem_shared>> -> memref<160x128xf32, #tpu.memory_space<vmem_shared>>
      %dma_wait3A_46 = arith.constant 0 : i32
      %dma_wait3A_47 = tpu.memref_slice %arg11[%multiple_of3A, %dma_wait3A_46] : memref<2688x128xf32, #tpu.memory_space<vmem_shared>> -> memref<160x128xf32, #tpu.memory_space<vmem_shared>>
      tpu.wait_dma2 semaphore(%run_scoped3A_41 : memref<!tpu.dma_semaphore, #tpu.memory_space<semaphore_mem>>) src(%arg9 : memref<160x128xf32, #tpu.memory_space<vmem>>) dst(%dma_wait3A_47 : memref<160x128xf32, #tpu.memory_space<vmem_shared>>)
      tpu.yield
    }) : () -> ()
    %barrier3A = arith.constant 0 : index
    tpu.barrier barrier_id(%barrier3A)
    %scan3A_14 = arith.constant 0 : i32
    %scan3A_15 = arith.constant 0 : i32
    %scan3A_16 = arith.constant 160 : i32
    %scan3A_17 = arith.addi %scan3A_15, %scan3A_16 : i32
    %scan3A_18 = arith.constant 1 : i32
    scf.for %scan3A_41 = %scan3A_15 to %scan3A_17 step %scan3A_18  : i32 {
      %dma_start3A = arith.constant 0 : i32
      %dma_start3A_42 = tpu.memref_slice %arg6[%scan3A_41, %dma_start3A] : memref<160x128xi32, #tpu.memory_space<vmem>> -> memref<1x128xi32, #tpu.memory_space<vmem>>
      %dma_start3A_43 = tpu.memref_squeeze %dma_start3A_42 : memref<1x128xi32, #tpu.memory_space<vmem>> -> memref<128xi32, #tpu.memory_space<vmem>>
      %dma_start3A_44 = arith.constant 0 : i32
      %dma_start3A_45 = arith.constant 0 : i32
      %dma_start3A_46 = tpu.memref_slice %arg2[%dma_start3A_44, %dma_start3A_45] : memref<10240x128xf32, #tpu.memory_space<hbm>> -> memref<10240x128xf32, #tpu.memory_space<hbm>>
      tpu.enqueue_indirect_dma source(%dma_start3A_46 : memref<10240x128xf32, #tpu.memory_space<hbm>>) target(%arg8 : memref<128x128xf32, #tpu.memory_space<vmem>>) offsets(%dma_start3A_43 : memref<128xi32, #tpu.memory_space<vmem>>) semaphore(%arg12 : memref<!tpu.dma_semaphore, #tpu.memory_space<semaphore_mem>>)
      %dma_wait3A = arith.constant 0 : i32
      %dma_wait3A_47 = tpu.memref_slice %arg6[%scan3A_41, %dma_wait3A] : memref<160x128xi32, #tpu.memory_space<vmem>> -> memref<1x128xi32, #tpu.memory_space<vmem>>
      %dma_wait3A_48 = tpu.memref_squeeze %dma_wait3A_47 : memref<1x128xi32, #tpu.memory_space<vmem>> -> memref<128xi32, #tpu.memory_space<vmem>>
      %dma_wait3A_49 = arith.constant 0 : i32
      %dma_wait3A_50 = arith.constant 0 : i32
      %dma_wait3A_51 = tpu.memref_slice %arg2[%dma_wait3A_49, %dma_wait3A_50] : memref<10240x128xf32, #tpu.memory_space<hbm>> -> memref<10240x128xf32, #tpu.memory_space<hbm>>
      tpu.wait_indirect_dma semaphore(%arg12 : memref<!tpu.dma_semaphore, #tpu.memory_space<semaphore_mem>>) src(%dma_wait3A_51 : memref<10240x128xf32, #tpu.memory_space<hbm>>) dst(%arg8 : memref<128x128xf32, #tpu.memory_space<vmem>>)
      "tpu.region"() ({
        %run_scoped3A_52 = tpu.sem_alloc : memref<!tpu.dma_semaphore, #tpu.memory_space<semaphore_mem>>
        %dma_start3A_53 = arith.constant 0 : i32
        %dma_start3A_54 = tpu.memref_slice %arg7[%scan3A_41, %dma_start3A_53] : memref<160x128xi32, #tpu.memory_space<vmem>> -> memref<1x128xi32, #tpu.memory_space<vmem>>
        %dma_start3A_55 = tpu.memref_squeeze %dma_start3A_54 : memref<1x128xi32, #tpu.memory_space<vmem>> -> memref<128xi32, #tpu.memory_space<vmem>>
        %dma_start3A_56 = arith.constant 0 : i32
        %dma_start3A_57 = arith.constant 0 : i32
        %dma_start3A_58 = tpu.memref_slice %arg11[%dma_start3A_56, %dma_start3A_57] : memref<2688x128xf32, #tpu.memory_space<vmem_shared>> -> memref<2688x128xf32, #tpu.memory_space<vmem_shared>>
        tpu.enqueue_indirect_dma source(%arg8 : memref<128x128xf32, #tpu.memory_space<vmem>>) target(%dma_start3A_58 : memref<2688x128xf32, #tpu.memory_space<vmem_shared>>) offsets(%dma_start3A_55 : memref<128xi32, #tpu.memory_space<vmem>>) semaphore(%run_scoped3A_52 : memref<!tpu.dma_semaphore, #tpu.memory_space<semaphore_mem>>) {add = true}
        %dma_wait3A_59 = arith.constant 0 : i32
        %dma_wait3A_60 = tpu.memref_slice %arg7[%scan3A_41, %dma_wait3A_59] : memref<160x128xi32, #tpu.memory_space<vmem>> -> memref<1x128xi32, #tpu.memory_space<vmem>>
        %dma_wait3A_61 = tpu.memref_squeeze %dma_wait3A_60 : memref<1x128xi32, #tpu.memory_space<vmem>> -> memref<128xi32, #tpu.memory_space<vmem>>
        %dma_wait3A_62 = arith.constant 0 : i32
        %dma_wait3A_63 = arith.constant 0 : i32
        %dma_wait3A_64 = tpu.memref_slice %arg11[%dma_wait3A_62, %dma_wait3A_63] : memref<2688x128xf32, #tpu.memory_space<vmem_shared>> -> memref<2688x128xf32, #tpu.memory_space<vmem_shared>>
        tpu.wait_indirect_dma semaphore(%run_scoped3A_52 : memref<!tpu.dma_semaphore, #tpu.memory_space<semaphore_mem>>) src(%arg8 : memref<128x128xf32, #tpu.memory_space<vmem>>) dst(%dma_wait3A_64 : memref<2688x128xf32, #tpu.memory_space<vmem_shared>>)
        tpu.yield
      }) : () -> ()
    }
    %scan3A_19 = arith.constant 160 : i32
    %barrier3A_20 = arith.constant 0 : index
    tpu.barrier barrier_id(%barrier3A_20)
    "tpu.region"() ({
      %run_scoped3A_41 = tpu.sem_alloc : memref<!tpu.dma_semaphore, #tpu.memory_space<semaphore_mem>>
      %dma_start3A = arith.constant 0 : i32
      %dma_start3A_42 = tpu.memref_slice %arg11[%multiple_of3A, %dma_start3A] : memref<2688x128xf32, #tpu.memory_space<vmem_shared>> -> memref<160x128xf32, #tpu.memory_space<vmem_shared>>
      %dma_start3A_43 = arith.constant 0 : i32
      %dma_start3A_44 = tpu.memref_slice %arg11[%multiple_of3A, %dma_start3A_43] : memref<2688x128xf32, #tpu.memory_space<vmem_shared>> -> memref<160x128xf32, #tpu.memory_space<vmem_shared>>
      tpu.enqueue_dma source(%dma_start3A_44 : memref<160x128xf32, #tpu.memory_space<vmem_shared>>) target(%arg10 : memref<160x128xf32, #tpu.memory_space<vmem>>) target_semaphore(%run_scoped3A_41 : memref<!tpu.dma_semaphore, #tpu.memory_space<semaphore_mem>>)
      %dma_wait3A = arith.constant 0 : i32
      %dma_wait3A_45 = tpu.memref_slice %arg11[%multiple_of3A, %dma_wait3A] : memref<2688x128xf32, #tpu.memory_space<vmem_shared>> -> memref<160x128xf32, #tpu.memory_space<vmem_shared>>
      %dma_wait3A_46 = arith.constant 0 : i32
      %dma_wait3A_47 = tpu.memref_slice %arg11[%multiple_of3A, %dma_wait3A_46] : memref<2688x128xf32, #tpu.memory_space<vmem_shared>> -> memref<160x128xf32, #tpu.memory_space<vmem_shared>>
      tpu.wait_dma2 semaphore(%run_scoped3A_41 : memref<!tpu.dma_semaphore, #tpu.memory_space<semaphore_mem>>) src(%dma_wait3A_47 : memref<160x128xf32, #tpu.memory_space<vmem_shared>>) dst(%arg10 : memref<160x128xf32, #tpu.memory_space<vmem>>)
      tpu.yield
    }) : () -> ()
    "tpu.region"() ({
      %run_scoped3A_41 = tpu.sem_alloc : memref<!tpu.dma_semaphore, #tpu.memory_space<semaphore_mem>>
      %dma_start3A = arith.constant 0 : i32
      %dma_start3A_42 = tpu.memref_slice %arg5[%multiple_of3A_13, %dma_start3A] : memref<10240x128xf32, #tpu.memory_space<hbm>> -> memref<160x128xf32, #tpu.memory_space<hbm>>
      %dma_start3A_43 = arith.constant 0 : i32
      %dma_start3A_44 = tpu.memref_slice %arg5[%multiple_of3A_13, %dma_start3A_43] : memref<10240x128xf32, #tpu.memory_space<hbm>> -> memref<160x128xf32, #tpu.memory_space<hbm>>
      tpu.enqueue_dma source(%arg10 : memref<160x128xf32, #tpu.memory_space<vmem>>) target(%dma_start3A_44 : memref<160x128xf32, #tpu.memory_space<hbm>>) target_semaphore(%run_scoped3A_41 : memref<!tpu.dma_semaphore, #tpu.memory_space<semaphore_mem>>)
      %dma_wait3A = arith.constant 0 : i32
      %dma_wait3A_45 = tpu.memref_slice %arg5[%multiple_of3A_13, %dma_wait3A] : memref<10240x128xf32, #tpu.memory_space<hbm>> -> memref<160x128xf32, #tpu.memory_space<hbm>>
      %dma_wait3A_46 = arith.constant 0 : i32
      %dma_wait3A_47 = tpu.memref_slice %arg5[%multiple_of3A_13, %dma_wait3A_46] : memref<10240x128xf32, #tpu.memory_space<hbm>> -> memref<160x128xf32, #tpu.memory_space<hbm>>
      tpu.wait_dma2 semaphore(%run_scoped3A_41 : memref<!tpu.dma_semaphore, #tpu.memory_space<semaphore_mem>>) src(%arg10 : memref<160x128xf32, #tpu.memory_space<vmem>>) dst(%dma_wait3A_47 : memref<160x128xf32, #tpu.memory_space<hbm>>)
      tpu.yield
    }) : () -> ()
    %barrier3A_21 = arith.constant 0 : index
    tpu.barrier barrier_id(%barrier3A_21)
    %mul3A_22 = arith.constant 2560 : i32
    %mul3A_23 = arith.muli %arg0, %mul3A_22 : i32
    %add3A_24 = arith.constant 5120 : i32
    %add3A_25 = arith.addi %add3A_24, %mul3A_23 : i32
    %multiple_of3A_26 = tpu.assume_multiple %add3A_25, 2560 : i32
    %mul3A_27 = arith.constant 160 : i32
    %mul3A_28 = arith.muli %arg1, %mul3A_27 : i32
    %add3A_29 = arith.addi %multiple_of3A_26, %mul3A_28 : i32
    %multiple_of3A_30 = tpu.assume_multiple %add3A_29, 8 : i32
    %run_scoped3A_31 = arith.constant 1 : i32
    "tpu.region"() ({
      %run_scoped3A_41 = tpu.sem_alloc : memref<!tpu.dma_semaphore, #tpu.memory_space<semaphore_mem>>
      %dma_start3A = arith.constant 0 : i32
      %dma_start3A_42 = arith.constant 0 : i32
      %dma_start3A_43 = tpu.memref_slice %arg4[%run_scoped3A_31, %arg0, %arg1, %dma_start3A, %dma_start3A_42] : memref<2x2x16x160x128xi32, #tpu.memory_space<hbm>> -> memref<1x1x1x160x128xi32, #tpu.memory_space<hbm>>
      %dma_start3A_44 = tpu.memref_squeeze %dma_start3A_43 : memref<1x1x1x160x128xi32, #tpu.memory_space<hbm>> -> memref<160x128xi32, #tpu.memory_space<hbm>>
      %dma_start3A_45 = arith.constant 0 : i32
      %dma_start3A_46 = arith.constant 0 : i32
      %dma_start3A_47 = tpu.memref_slice %arg4[%run_scoped3A_31, %arg0, %arg1, %dma_start3A_45, %dma_start3A_46] : memref<2x2x16x160x128xi32, #tpu.memory_space<hbm>> -> memref<1x1x1x160x128xi32, #tpu.memory_space<hbm>>
      %dma_start3A_48 = tpu.memref_squeeze %dma_start3A_47 : memref<1x1x1x160x128xi32, #tpu.memory_space<hbm>> -> memref<160x128xi32, #tpu.memory_space<hbm>>
      tpu.enqueue_dma source(%dma_start3A_48 : memref<160x128xi32, #tpu.memory_space<hbm>>) target(%arg7 : memref<160x128xi32, #tpu.memory_space<vmem>>) target_semaphore(%run_scoped3A_41 : memref<!tpu.dma_semaphore, #tpu.memory_space<semaphore_mem>>)
      %dma_wait3A = arith.constant 0 : i32
      %dma_wait3A_49 = arith.constant 0 : i32
      %dma_wait3A_50 = tpu.memref_slice %arg4[%run_scoped3A_31, %arg0, %arg1, %dma_wait3A, %dma_wait3A_49] : memref<2x2x16x160x128xi32, #tpu.memory_space<hbm>> -> memref<1x1x1x160x128xi32, #tpu.memory_space<hbm>>
      %dma_wait3A_51 = tpu.memref_squeeze %dma_wait3A_50 : memref<1x1x1x160x128xi32, #tpu.memory_space<hbm>> -> memref<160x128xi32, #tpu.memory_space<hbm>>
      %dma_wait3A_52 = arith.constant 0 : i32
      %dma_wait3A_53 = arith.constant 0 : i32
      %dma_wait3A_54 = tpu.memref_slice %arg4[%run_scoped3A_31, %arg0, %arg1, %dma_wait3A_52, %dma_wait3A_53] : memref<2x2x16x160x128xi32, #tpu.memory_space<hbm>> -> memref<1x1x1x160x128xi32, #tpu.memory_space<hbm>>
      %dma_wait3A_55 = tpu.memref_squeeze %dma_wait3A_54 : memref<1x1x1x160x128xi32, #tpu.memory_space<hbm>> -> memref<160x128xi32, #tpu.memory_space<hbm>>
      tpu.wait_dma2 semaphore(%run_scoped3A_41 : memref<!tpu.dma_semaphore, #tpu.memory_space<semaphore_mem>>) src(%dma_wait3A_55 : memref<160x128xi32, #tpu.memory_space<hbm>>) dst(%arg7 : memref<160x128xi32, #tpu.memory_space<vmem>>)
      tpu.yield
    }) : () -> ()
    "tpu.region"() ({
      %run_scoped3A_41 = tpu.sem_alloc : memref<!tpu.dma_semaphore, #tpu.memory_space<semaphore_mem>>
      %dma_start3A = arith.constant 0 : i32
      %dma_start3A_42 = tpu.memref_slice %arg11[%multiple_of3A, %dma_start3A] : memref<2688x128xf32, #tpu.memory_space<vmem_shared>> -> memref<160x128xf32, #tpu.memory_space<vmem_shared>>
      %dma_start3A_43 = arith.constant 0 : i32
      %dma_start3A_44 = tpu.memref_slice %arg11[%multiple_of3A, %dma_start3A_43] : memref<2688x128xf32, #tpu.memory_space<vmem_shared>> -> memref<160x128xf32, #tpu.memory_space<vmem_shared>>
      tpu.enqueue_dma source(%arg9 : memref<160x128xf32, #tpu.memory_space<vmem>>) target(%dma_start3A_44 : memref<160x128xf32, #tpu.memory_space<vmem_shared>>) target_semaphore(%run_scoped3A_41 : memref<!tpu.dma_semaphore, #tpu.memory_space<semaphore_mem>>)
      %dma_wait3A = arith.constant 0 : i32
      %dma_wait3A_45 = tpu.memref_slice %arg11[%multiple_of3A, %dma_wait3A] : memref<2688x128xf32, #tpu.memory_space<vmem_shared>> -> memref<160x128xf32, #tpu.memory_space<vmem_shared>>
      %dma_wait3A_46 = arith.constant 0 : i32
      %dma_wait3A_47 = tpu.memref_slice %arg11[%multiple_of3A, %dma_wait3A_46] : memref<2688x128xf32, #tpu.memory_space<vmem_shared>> -> memref<160x128xf32, #tpu.memory_space<vmem_shared>>
      tpu.wait_dma2 semaphore(%run_scoped3A_41 : memref<!tpu.dma_semaphore, #tpu.memory_space<semaphore_mem>>) src(%arg9 : memref<160x128xf32, #tpu.memory_space<vmem>>) dst(%dma_wait3A_47 : memref<160x128xf32, #tpu.memory_space<vmem_shared>>)
      tpu.yield
    }) : () -> ()
    %barrier3A_32 = arith.constant 0 : index
    tpu.barrier barrier_id(%barrier3A_32)
    %scan3A_33 = arith.constant 0 : i32
    %scan3A_34 = arith.constant 0 : i32
    %scan3A_35 = arith.constant 160 : i32
    %scan3A_36 = arith.addi %scan3A_34, %scan3A_35 : i32
    %scan3A_37 = arith.constant 1 : i32
    scf.for %scan3A_41 = %scan3A_34 to %scan3A_36 step %scan3A_37  : i32 {
      %dma_start3A = arith.constant 0 : i32
      %dma_start3A_42 = tpu.memref_slice %arg6[%scan3A_41, %dma_start3A] : memref<160x128xi32, #tpu.memory_space<vmem>> -> memref<1x128xi32, #tpu.memory_space<vmem>>
      %dma_start3A_43 = tpu.memref_squeeze %dma_start3A_42 : memref<1x128xi32, #tpu.memory_space<vmem>> -> memref<128xi32, #tpu.memory_space<vmem>>
      %dma_start3A_44 = arith.constant 0 : i32
      %dma_start3A_45 = arith.constant 0 : i32
      %dma_start3A_46 = tpu.memref_slice %arg2[%dma_start3A_44, %dma_start3A_45] : memref<10240x128xf32, #tpu.memory_space<hbm>> -> memref<10240x128xf32, #tpu.memory_space<hbm>>
      tpu.enqueue_indirect_dma source(%dma_start3A_46 : memref<10240x128xf32, #tpu.memory_space<hbm>>) target(%arg8 : memref<128x128xf32, #tpu.memory_space<vmem>>) offsets(%dma_start3A_43 : memref<128xi32, #tpu.memory_space<vmem>>) semaphore(%arg12 : memref<!tpu.dma_semaphore, #tpu.memory_space<semaphore_mem>>)
      %dma_wait3A = arith.constant 0 : i32
      %dma_wait3A_47 = tpu.memref_slice %arg6[%scan3A_41, %dma_wait3A] : memref<160x128xi32, #tpu.memory_space<vmem>> -> memref<1x128xi32, #tpu.memory_space<vmem>>
      %dma_wait3A_48 = tpu.memref_squeeze %dma_wait3A_47 : memref<1x128xi32, #tpu.memory_space<vmem>> -> memref<128xi32, #tpu.memory_space<vmem>>
      %dma_wait3A_49 = arith.constant 0 : i32
      %dma_wait3A_50 = arith.constant 0 : i32
      %dma_wait3A_51 = tpu.memref_slice %arg2[%dma_wait3A_49, %dma_wait3A_50] : memref<10240x128xf32, #tpu.memory_space<hbm>> -> memref<10240x128xf32, #tpu.memory_space<hbm>>
      tpu.wait_indirect_dma semaphore(%arg12 : memref<!tpu.dma_semaphore, #tpu.memory_space<semaphore_mem>>) src(%dma_wait3A_51 : memref<10240x128xf32, #tpu.memory_space<hbm>>) dst(%arg8 : memref<128x128xf32, #tpu.memory_space<vmem>>)
      "tpu.region"() ({
        %run_scoped3A_52 = tpu.sem_alloc : memref<!tpu.dma_semaphore, #tpu.memory_space<semaphore_mem>>
        %dma_start3A_53 = arith.constant 0 : i32
        %dma_start3A_54 = tpu.memref_slice %arg7[%scan3A_41, %dma_start3A_53] : memref<160x128xi32, #tpu.memory_space<vmem>> -> memref<1x128xi32, #tpu.memory_space<vmem>>
        %dma_start3A_55 = tpu.memref_squeeze %dma_start3A_54 : memref<1x128xi32, #tpu.memory_space<vmem>> -> memref<128xi32, #tpu.memory_space<vmem>>
        %dma_start3A_56 = arith.constant 0 : i32
        %dma_start3A_57 = arith.constant 0 : i32
        %dma_start3A_58 = tpu.memref_slice %arg11[%dma_start3A_56, %dma_start3A_57] : memref<2688x128xf32, #tpu.memory_space<vmem_shared>> -> memref<2688x128xf32, #tpu.memory_space<vmem_shared>>
        tpu.enqueue_indirect_dma source(%arg8 : memref<128x128xf32, #tpu.memory_space<vmem>>) target(%dma_start3A_58 : memref<2688x128xf32, #tpu.memory_space<vmem_shared>>) offsets(%dma_start3A_55 : memref<128xi32, #tpu.memory_space<vmem>>) semaphore(%run_scoped3A_52 : memref<!tpu.dma_semaphore, #tpu.memory_space<semaphore_mem>>) {add = true}
        %dma_wait3A_59 = arith.constant 0 : i32
        %dma_wait3A_60 = tpu.memref_slice %arg7[%scan3A_41, %dma_wait3A_59] : memref<160x128xi32, #tpu.memory_space<vmem>> -> memref<1x128xi32, #tpu.memory_space<vmem>>
        %dma_wait3A_61 = tpu.memref_squeeze %dma_wait3A_60 : memref<1x128xi32, #tpu.memory_space<vmem>> -> memref<128xi32, #tpu.memory_space<vmem>>
        %dma_wait3A_62 = arith.constant 0 : i32
        %dma_wait3A_63 = arith.constant 0 : i32
        %dma_wait3A_64 = tpu.memref_slice %arg11[%dma_wait3A_62, %dma_wait3A_63] : memref<2688x128xf32, #tpu.memory_space<vmem_shared>> -> memref<2688x128xf32, #tpu.memory_space<vmem_shared>>
        tpu.wait_indirect_dma semaphore(%run_scoped3A_52 : memref<!tpu.dma_semaphore, #tpu.memory_space<semaphore_mem>>) src(%arg8 : memref<128x128xf32, #tpu.memory_space<vmem>>) dst(%dma_wait3A_64 : memref<2688x128xf32, #tpu.memory_space<vmem_shared>>)
        tpu.yield
      }) : () -> ()
    }
    %scan3A_38 = arith.constant 160 : i32
    %barrier3A_39 = arith.constant 0 : index
    tpu.barrier barrier_id(%barrier3A_39)
    "tpu.region"() ({
      %run_scoped3A_41 = tpu.sem_alloc : memref<!tpu.dma_semaphore, #tpu.memory_space<semaphore_mem>>
      %dma_start3A = arith.constant 0 : i32
      %dma_start3A_42 = tpu.memref_slice %arg11[%multiple_of3A, %dma_start3A] : memref<2688x128xf32, #tpu.memory_space<vmem_shared>> -> memref<160x128xf32, #tpu.memory_space<vmem_shared>>
      %dma_start3A_43 = arith.constant 0 : i32
      %dma_start3A_44 = tpu.memref_slice %arg11[%multiple_of3A, %dma_start3A_43] : memref<2688x128xf32, #tpu.memory_space<vmem_shared>> -> memref<160x128xf32, #tpu.memory_space<vmem_shared>>
      tpu.enqueue_dma source(%dma_start3A_44 : memref<160x128xf32, #tpu.memory_space<vmem_shared>>) target(%arg10 : memref<160x128xf32, #tpu.memory_space<vmem>>) target_semaphore(%run_scoped3A_41 : memref<!tpu.dma_semaphore, #tpu.memory_space<semaphore_mem>>)
      %dma_wait3A = arith.constant 0 : i32
      %dma_wait3A_45 = tpu.memref_slice %arg11[%multiple_of3A, %dma_wait3A] : memref<2688x128xf32, #tpu.memory_space<vmem_shared>> -> memref<160x128xf32, #tpu.memory_space<vmem_shared>>
      %dma_wait3A_46 = arith.constant 0 : i32
      %dma_wait3A_47 = tpu.memref_slice %arg11[%multiple_of3A, %dma_wait3A_46] : memref<2688x128xf32, #tpu.memory_space<vmem_shared>> -> memref<160x128xf32, #tpu.memory_space<vmem_shared>>
      tpu.wait_dma2 semaphore(%run_scoped3A_41 : memref<!tpu.dma_semaphore, #tpu.memory_space<semaphore_mem>>) src(%dma_wait3A_47 : memref<160x128xf32, #tpu.memory_space<vmem_shared>>) dst(%arg10 : memref<160x128xf32, #tpu.memory_space<vmem>>)
      tpu.yield
    }) : () -> ()
    "tpu.region"() ({
      %run_scoped3A_41 = tpu.sem_alloc : memref<!tpu.dma_semaphore, #tpu.memory_space<semaphore_mem>>
      %dma_start3A = arith.constant 0 : i32
      %dma_start3A_42 = tpu.memref_slice %arg5[%multiple_of3A_30, %dma_start3A] : memref<10240x128xf32, #tpu.memory_space<hbm>> -> memref<160x128xf32, #tpu.memory_space<hbm>>
      %dma_start3A_43 = arith.constant 0 : i32
      %dma_start3A_44 = tpu.memref_slice %arg5[%multiple_of3A_30, %dma_start3A_43] : memref<10240x128xf32, #tpu.memory_space<hbm>> -> memref<160x128xf32, #tpu.memory_space<hbm>>
      tpu.enqueue_dma source(%arg10 : memref<160x128xf32, #tpu.memory_space<vmem>>) target(%dma_start3A_44 : memref<160x128xf32, #tpu.memory_space<hbm>>) target_semaphore(%run_scoped3A_41 : memref<!tpu.dma_semaphore, #tpu.memory_space<semaphore_mem>>)
      %dma_wait3A = arith.constant 0 : i32
      %dma_wait3A_45 = tpu.memref_slice %arg5[%multiple_of3A_30, %dma_wait3A] : memref<10240x128xf32, #tpu.memory_space<hbm>> -> memref<160x128xf32, #tpu.memory_space<hbm>>
      %dma_wait3A_46 = arith.constant 0 : i32
      %dma_wait3A_47 = tpu.memref_slice %arg5[%multiple_of3A_30, %dma_wait3A_46] : memref<10240x128xf32, #tpu.memory_space<hbm>> -> memref<160x128xf32, #tpu.memory_space<hbm>>
      tpu.wait_dma2 semaphore(%run_scoped3A_41 : memref<!tpu.dma_semaphore, #tpu.memory_space<semaphore_mem>>) src(%arg10 : memref<160x128xf32, #tpu.memory_space<vmem>>) dst(%dma_wait3A_47 : memref<160x128xf32, #tpu.memory_space<hbm>>)
      tpu.yield
    }) : () -> ()
    %barrier3A_40 = arith.constant 0 : index
    tpu.barrier barrier_id(%barrier3A_40)
    return
  }
}

module attributes {stable_mosaic.version = 14 : i64} {
  func.func @_tc_pre_body(%arg0: memref<10240x128xf32, #tpu.memory_space<vmem>>, %arg1: memref<128x128xf32, #tpu.memory_space<vmem>>, %arg2: memref<2x16x1x640xf32, #tpu.memory_space<vmem>>, %arg3: memref<10240x128xf32, #tpu.memory_space<vmem>>, %arg4: memref<10240x128xf32, #tpu.memory_space<vmem>>) attributes {dimension_semantics = [], scalar_prefetch = 0 : i64, scratch_operands = 0 : i64, tpu.core_type = #tpu.core_type<tc>} {
    %get3A = arith.constant 0 : index
    %get3A_0 = arith.constant 0 : index
    %get3A_1 = arith.constant 0 : index
    %get3A_2 = arith.constant 0 : index
    %get3A_3 = vector.load %arg2[%get3A, %get3A_0, %get3A_1, %get3A_2] : memref<2x16x1x640xf32, #tpu.memory_space<vmem>>, vector<2x16x1x640xf32>
    %squeeze3A = vector.shape_cast %get3A_3 : vector<2x16x1x640xf32> to vector<2x16x640xf32>
    %slice3A = vector.extract_strided_slice %squeeze3A {offsets = [0, 0, 0], sizes = [1, 16, 640], strides = [1, 1, 1]} : vector<2x16x640xf32> to vector<1x16x640xf32>
    %squeeze3A_4 = vector.shape_cast %slice3A : vector<1x16x640xf32> to vector<16x640xf32>
    %slice3A_5 = vector.extract_strided_slice %squeeze3A {offsets = [1, 0, 0], sizes = [1, 16, 640], strides = [1, 1, 1]} : vector<2x16x640xf32> to vector<1x16x640xf32>
    %squeeze3A_6 = vector.shape_cast %slice3A_5 : vector<1x16x640xf32> to vector<16x640xf32>
    %add3A = arith.addf %squeeze3A_4, %squeeze3A_6 : vector<16x640xf32>
    %add3A_7 = arith.constant 1.000000e+00 : f32
    %add3A_8 = vector.broadcast %add3A_7 : f32 to vector<16x640xf32>
    %add3A_9 = arith.addf %add3A, %add3A_8 : vector<16x640xf32>
    %rsqrt3A = math.rsqrt %add3A_9 : vector<16x640xf32>
    %broadcast_in_dim3A = vector.shape_cast %rsqrt3A : vector<16x640xf32> to vector<16x640x1xf32>
    %broadcast_in_dim3A_10 = vector.shape_cast %broadcast_in_dim3A : vector<16x640x1xf32> to vector<16x640x1xf32>
    %broadcast_in_dim3A_11 = vector.broadcast %broadcast_in_dim3A_10 : vector<16x640x1xf32> to vector<16x640x128xf32>
    %reshape3A = vector.shape_cast %broadcast_in_dim3A_11 : vector<16x640x128xf32> to vector<10240x128xf32>
    %get3A_12 = arith.constant 0 : index
    %get3A_13 = arith.constant 0 : index
    %get3A_14 = vector.load %arg0[%get3A_12, %get3A_13] : memref<10240x128xf32, #tpu.memory_space<vmem>>, vector<10240x128xf32>
    %get3A_15 = arith.constant 0 : index
    %get3A_16 = arith.constant 0 : index
    %get3A_17 = vector.load %arg1[%get3A_15, %get3A_16] : memref<128x128xf32, #tpu.memory_space<vmem>>, vector<128x128xf32>
    %dot_general3A = arith.constant dense<0.000000e+00> : vector<10240x128xf32>
    %dot_general3A_18 = tpu.matmul %get3A_14, %get3A_17, %dot_general3A {dimension_numbers = #tpu.dot_dimension_numbers<[1], [0], [0], [1], [0, 0, 1, 1], [], []>, transpose_lhs_hint = false} : vector<10240x128xf32>, vector<128x128xf32>, vector<10240x128xf32> -> vector<10240x128xf32>
    %mul3A = arith.mulf %dot_general3A_18, %reshape3A : vector<10240x128xf32>
    %swap3A = arith.constant 0 : index
    %swap3A_19 = arith.constant 0 : index
    %swap3A_20 = vector.load %arg3[%swap3A, %swap3A_19] : memref<10240x128xf32, #tpu.memory_space<vmem>>, vector<10240x128xf32>
    tpu.vector_store %arg3[%swap3A, %swap3A_19], %mul3A {strides = array<i32>} : memref<10240x128xf32, #tpu.memory_space<vmem>>, vector<10240x128xf32>,
    %swap3A_21 = arith.constant 0 : index
    %swap3A_22 = arith.constant 0 : index
    %swap3A_23 = vector.load %arg4[%swap3A_21, %swap3A_22] : memref<10240x128xf32, #tpu.memory_space<vmem>>, vector<10240x128xf32>
    tpu.vector_store %arg4[%swap3A_21, %swap3A_22], %reshape3A {strides = array<i32>} : memref<10240x128xf32, #tpu.memory_space<vmem>>, vector<10240x128xf32>,
    return
  }
}

module attributes {stable_mosaic.version = 14 : i64} {
  func.func @_tc_mid_body(%arg0: memref<10240x128xf32, #tpu.memory_space<vmem>>, %arg1: memref<10240x128xf32, #tpu.memory_space<vmem>>, %arg2: memref<10240x128xf32, #tpu.memory_space<vmem>>, %arg3: memref<1x128xf32, #tpu.memory_space<vmem>>, %arg4: memref<128x128xf32, #tpu.memory_space<vmem>>, %arg5: memref<10240x128xf32, #tpu.memory_space<vmem>>) attributes {dimension_semantics = [], scalar_prefetch = 0 : i64, scratch_operands = 0 : i64, tpu.core_type = #tpu.core_type<tc>} {
    %get3A = arith.constant 0 : index
    %get3A_0 = arith.constant 0 : index
    %get3A_1 = vector.load %arg0[%get3A, %get3A_0] : memref<10240x128xf32, #tpu.memory_space<vmem>>, vector<10240x128xf32>
    %get3A_2 = arith.constant 0 : index
    %get3A_3 = arith.constant 0 : index
    %get3A_4 = vector.load %arg1[%get3A_2, %get3A_3] : memref<10240x128xf32, #tpu.memory_space<vmem>>, vector<10240x128xf32>
    %add3A = arith.addf %get3A_1, %get3A_4 : vector<10240x128xf32>
    %get3A_5 = arith.constant 0 : index
    %get3A_6 = arith.constant 0 : index
    %get3A_7 = vector.load %arg2[%get3A_5, %get3A_6] : memref<10240x128xf32, #tpu.memory_space<vmem>>, vector<10240x128xf32>
    %mul3A = arith.mulf %add3A, %get3A_7 : vector<10240x128xf32>
    %get3A_8 = arith.constant 0 : index
    %get3A_9 = arith.constant 0 : index
    %get3A_10 = vector.load %arg3[%get3A_8, %get3A_9] : memref<1x128xf32, #tpu.memory_space<vmem>>, vector<1x128xf32>
    %add3A_11 = vector.broadcast %get3A_10 : vector<1x128xf32> to vector<10240x128xf32>
    %add3A_12 = arith.addf %mul3A, %add3A_11 : vector<10240x128xf32>
    %max3A = arith.constant 0.000000e+00 : f32
    %max3A_13 = vector.broadcast %max3A : f32 to vector<10240x128xf32>
    %max3A_14 = arith.maximumf %add3A_12, %max3A_13 : vector<10240x128xf32>
    %get3A_15 = arith.constant 0 : index
    %get3A_16 = arith.constant 0 : index
    %get3A_17 = vector.load %arg4[%get3A_15, %get3A_16] : memref<128x128xf32, #tpu.memory_space<vmem>>, vector<128x128xf32>
    %dot_general3A = arith.constant dense<0.000000e+00> : vector<10240x128xf32>
    %dot_general3A_18 = tpu.matmul %max3A_14, %get3A_17, %dot_general3A {dimension_numbers = #tpu.dot_dimension_numbers<[1], [0], [0], [1], [0, 0, 1, 1], [], []>, transpose_lhs_hint = false} : vector<10240x128xf32>, vector<128x128xf32>, vector<10240x128xf32> -> vector<10240x128xf32>
    %get3A_19 = arith.constant 0 : index
    %get3A_20 = arith.constant 0 : index
    %get3A_21 = vector.load %arg2[%get3A_19, %get3A_20] : memref<10240x128xf32, #tpu.memory_space<vmem>>, vector<10240x128xf32>
    %mul3A_22 = arith.mulf %dot_general3A_18, %get3A_21 : vector<10240x128xf32>
    %swap3A = arith.constant 0 : index
    %swap3A_23 = arith.constant 0 : index
    %swap3A_24 = vector.load %arg5[%swap3A, %swap3A_23] : memref<10240x128xf32, #tpu.memory_space<vmem>>, vector<10240x128xf32>
    tpu.vector_store %arg5[%swap3A, %swap3A_23], %mul3A_22 {strides = array<i32>} : memref<10240x128xf32, #tpu.memory_space<vmem>>, vector<10240x128xf32>,
    return
  }
}

module attributes {stable_mosaic.version = 14 : i64} {
  func.func @_tc_post_body(%arg0: memref<10240x128xf32, #tpu.memory_space<vmem>>, %arg1: memref<10240x128xf32, #tpu.memory_space<vmem>>, %arg2: memref<10240x128xf32, #tpu.memory_space<vmem>>, %arg3: memref<1x128xf32, #tpu.memory_space<vmem>>, %arg4: memref<10240x128xf32, #tpu.memory_space<vmem>>) attributes {dimension_semantics = [], scalar_prefetch = 0 : i64, scratch_operands = 0 : i64, tpu.core_type = #tpu.core_type<tc>} {
    %get3A = arith.constant 0 : index
    %get3A_0 = arith.constant 0 : index
    %get3A_1 = vector.load %arg0[%get3A, %get3A_0] : memref<10240x128xf32, #tpu.memory_space<vmem>>, vector<10240x128xf32>
    %get3A_2 = arith.constant 0 : index
    %get3A_3 = arith.constant 0 : index
    %get3A_4 = vector.load %arg1[%get3A_2, %get3A_3] : memref<10240x128xf32, #tpu.memory_space<vmem>>, vector<10240x128xf32>
    %add3A = arith.addf %get3A_1, %get3A_4 : vector<10240x128xf32>
    %get3A_5 = arith.constant 0 : index
    %get3A_6 = arith.constant 0 : index
    %get3A_7 = vector.load %arg2[%get3A_5, %get3A_6] : memref<10240x128xf32, #tpu.memory_space<vmem>>, vector<10240x128xf32>
    %mul3A = arith.mulf %add3A, %get3A_7 : vector<10240x128xf32>
    %get3A_8 = arith.constant 0 : index
    %get3A_9 = arith.constant 0 : index
    %get3A_10 = vector.load %arg3[%get3A_8, %get3A_9] : memref<1x128xf32, #tpu.memory_space<vmem>>, vector<1x128xf32>
    %add3A_11 = vector.broadcast %get3A_10 : vector<1x128xf32> to vector<10240x128xf32>
    %add3A_12 = arith.addf %mul3A, %add3A_11 : vector<10240x128xf32>
    %max3A = arith.constant 0.000000e+00 : f32
    %max3A_13 = vector.broadcast %max3A : f32 to vector<10240x128xf32>
    %max3A_14 = arith.maximumf %add3A_12, %max3A_13 : vector<10240x128xf32>
    %swap3A = arith.constant 0 : index
    %swap3A_15 = arith.constant 0 : index
    %swap3A_16 = vector.load %arg4[%swap3A, %swap3A_15] : memref<10240x128xf32, #tpu.memory_space<vmem>>, vector<10240x128xf32>
    tpu.vector_store %arg4[%swap3A, %swap3A_15], %max3A_14 {strides = array<i32>} : memref<10240x128xf32, #tpu.memory_space<vmem>>, vector<10240x128xf32>,
    return
  }
}

</mosaic_0001>

<sc_bundles>
// kernel: kernel.10.cloned.1.call-start
scs
__scs_entry_jumppad:
0x0: {  	(pc) =	sbr.rel $0x88, $3  }
0x1: {  	(tag) =	ssettag $0x0;
	lr =	simm.s32 $0x1  }
0x2: {  	[smem:$0x3F99] =	sst lr;
	_ =	strace $0xD0000000  }
0x3: {  	_ = 	snop  }
0x4: {  	_ = 	snop  }
0x5: {  	_ = 	snop  }
0x6: {  	_ = 	snop  }
0x7: {  	_ = 	snop  }
__scs_overlays_trampoline_lowered:
0x8: {  	[smem:$0x3FA8] =	sst s0  }
0x9: {  	[smem:$0x3FA9] =	sst s1  }
0xa: {  	[smem:$0x3FAA] =	sst s2  }
0xb: {  	[smem:$0x3FAB] =	sst s3  }
0xc: {  	[smem:$0x3FAC] =	sst s4  }
0xd: {  	[smem:$0x3FAD] =	sst s5  }
0xe: {  	[smem:$0x3FAE] =	sst s6  }
0xf: {  	[smem:$0x3FAF] =	sst s7  }
0x10: {  	[smem:$0x3FB0] =	sst s8  }
0x11: {  	[smem:$0x3FB1] =	sst s9;
	s0 =	simm.s32 @!p0 $0x0  }
0x12: {  	s1 =	sld [smem:$0x3F97];
	s0 =	simm.s32 @p0 $0x1  }
0x13: {  	[smem:$0x3FB2] =	sst s0;
	s0 =	simm.s32 @!p1 $0x0  }
0x14: {  	s2 =	sld [smem:$0x3F96];
	s0 =	simm.s32 @p1 $0x1  }
0x15: {  	[smem:$0x3FB3] =	sst s0;
	s0 =	simm.s32 @!p2 $0x0  }
0x16: {  	s3 =	sld [smem:$0x3FDB];
	s0 =	simm.s32 @p2 $0x1  }
0x17: {  	s4 =	simm.s32 $0x1BF5;
	[smem:$0x3FB5] =	sst s0  }
0x18: {  	s0 =	sld [smem:$0x3F98];
	_ =	swait.ge [sflag:s4], $0x0  }
0x19: {  	s7 =	sld [smem:$0x3F99]  }
0x1a: {  	s8 =	sadd.s32 $0xFFFFE003, lr  }
0x1b: {  	s9 =	sadd.s32 $0xFFFFFEF7, lr;
	s5 =	simm.s32 $0xFFFFFFFF;
	p2 =	slt.u32 s8, $0xFFFFF086  }
0x1c: {  	p1 =	slt.u32 s9, $0xF7A;
	s5 =	simm.s32 @!p2 $0x0  }
0x1d: {  	s5 =	simm.s32 @p1 $0x1;
	p0 =	seq.s32 s7, s2  }
0x1e: {  	s7 =	smul.u32 @!p0 $0xF7A, s2;
	p2 =	seq.s32 @!p0 s5, $0x0  }
0x1f: {  	s9 =	smul.u32 $0xF7A, s1;
	s8 =	simm.s32 @!p0 $0x1BF5;
	p2 =	por !p2, p0  }
0x20: {  	[sflag:s8] =	ssyncset.s32 @!p0 $0xFFFFF086;
	s6 =	sadd.s32 @!p0 s3, s7;
	s7 =	simm.s32 @!p0 $0x108  }
0x21: {  	s3 =	sadd.s32 s3, s9;
	s6 =	sadd.s32 @!p0 $0x88, s6;
	s7 =	simm.s32 @p2 $0x1082  }
0x22: {  	[simem:s7], [sflag:s8] =	dma.local @!p0 [hbm:s6], $0xF7A  }
0x23: {  	s9 =	sor.u32 $0xD0000000, s2;
	s6 =	simm.s32 $0x108;
	_ =	swait.ge @!p0 [sflag:s8], $0x0  }
0x24: {  	s3 =	sadd.s32 $0x88, s3;
	s6 =	simm.s32 @!p1 $0x1082;
	[sflag:s4] =	ssyncset.s32 $0xFFFFF086  }
0x25: {  	[simem:s6], [sflag:s4] =	dma.local [hbm:s3], $0xF7A  }
0x26: {  	[smem:$0x3F99] =	sst s1;
	(tag) =	ssettag s2;
	_ =	strace s9  }
0x27: {  	s1 =	sld [smem:$0x3FA9]  }
0x28: {  	s2 =	sld [smem:$0x3FAA]  }
0x29: {  	s4 =	sld [smem:$0x3FAC]  }
0x2a: {  	p0 =	seq.s32 s5, $0x0;
	s5 =	sld [smem:$0x3FAD]  }
0x2b: {  	s6 =	sld [smem:$0x3FAE]  }
0x2c: {  	s7 =	sld [smem:$0x3FAF]  }
0x2d: {  	s3 =	simm.s32 $0x108;
	s8 =	sld [smem:$0x3FB0]  }
0x2e: {  	s3 =	simm.s32 @!p0 $0x1082;
	s9 =	sld [smem:$0x3FB1]  }
0x2f: {  	lr =	sadd.s32 s0, s3;
	s0 =	sld [smem:$0x3FA8]  }
0x30: {  	s3 =	sld [smem:$0x3FAB]  }
0x31: {  	[smem:$0x3FB4] =	sst s10  }
0x32: {  	s10 =	sld [smem:$0x3FB2];
	_ =	sdelay $0x3  }
0x33: {  	p0 =	seq.s32 s10, $0x1;
	s10 =	sld [smem:$0x3FB4];
	_ =	sdelay $0x3  }
0x34: {  	[smem:$0x3FB4] =	sst s10  }
0x35: {  	s10 =	sld [smem:$0x3FB3];
	_ =	sdelay $0x3  }
0x36: {  	p1 =	seq.s32 s10, $0x1;
	s10 =	sld [smem:$0x3FB4];
	_ =	sdelay $0x3  }
0x37: {  	[smem:$0x3FB4] =	sst s10  }
0x38: {  	s10 =	sld [smem:$0x3FB5]  }
0x39: {  	_ = 	snop;
	(pc) =	sbr.ind lr, $3  }
0x3a: {  	_ = 	snop  }
0x3b: {  	_ = 	snop  }
0x3c: {  	p2 =	seq.s32 s10, $0x1;
	s10 =	sld [smem:$0x3FB4]  }
0x3d: {  	_ =	shalt  }
0x3e: {  	_ =	shalt  }
0x3f: {  	_ =	shalt  }
0x40: {  	_ =	shalt  }
0x41: {  	_ =	shalt  }
0x42: {  	_ =	shalt  }
0x43: {  	_ =	shalt  }
0x44: {  	_ =	shalt  }
0x45: {  	_ =	shalt  }
0x46: {  	_ =	shalt  }
0x47: {  	_ =	shalt  }
0x48: {  	_ =	shalt  }
0x49: {  	_ =	shalt  }
0x4a: {  	_ =	shalt  }
0x4b: {  	_ =	shalt  }
0x4c: {  	_ =	shalt  }
0x4d: {  	_ =	shalt  }
0x4e: {  	_ =	shalt  }
0x4f: {  	_ =	shalt  }
0x50: {  	_ =	shalt  }
0x51: {  	_ =	shalt  }
0x52: {  	_ =	shalt  }
0x53: {  	_ =	shalt  }
0x54: {  	_ =	shalt  }
0x55: {  	_ =	shalt  }
0x56: {  	_ =	shalt  }
0x57: {  	_ =	shalt  }
0x58: {  	_ =	shalt  }
0x59: {  	_ =	shalt  }
0x5a: {  	_ =	shalt  }
0x5b: {  	_ =	shalt  }
0x5c: {  	_ =	shalt  }
0x5d: {  	_ =	shalt  }
0x5e: {  	_ =	shalt  }
0x5f: {  	_ =	shalt  }
0x60: {  	_ =	shalt  }
0x61: {  	_ =	shalt  }
0x62: {  	_ =	shalt  }
0x63: {  	_ =	shalt  }
0x64: {  	_ =	shalt  }
0x65: {  	_ =	shalt  }
0x66: {  	_ =	shalt  }
0x67: {  	_ =	shalt  }
0x68: {  	_ =	shalt  }
0x69: {  	_ =	shalt  }
0x6a: {  	_ =	shalt  }
0x6b: {  	_ =	shalt  }
0x6c: {  	_ =	shalt  }
0x6d: {  	_ =	shalt  }
0x6e: {  	_ =	shalt  }
0x6f: {  	_ =	shalt  }
0x70: {  	_ =	shalt  }
0x71: {  	_ =	shalt  }
0x72: {  	_ =	shalt  }
0x73: {  	_ =	shalt  }
0x74: {  	_ =	shalt  }
0x75: {  	_ =	shalt  }
0x76: {  	_ =	shalt  }
0x77: {  	_ =	shalt  }
0x78: {  	_ =	shalt  }
0x79: {  	_ =	shalt  }
0x7a: {  	_ =	shalt  }
0x7b: {  	_ =	shalt  }
0x7c: {  	_ =	shalt  }
0x7d: {  	_ =	shalt  }
0x7e: {  	_ =	shalt  }
0x7f: {  	_ =	shalt  }
0x80: {  	_ =	shalt  }
0x81: {  	_ =	shalt  }
0x82: {  	_ =	shalt  }
0x83: {  	_ =	shalt  }
0x84: {  	_ =	shalt  }
0x85: {  	_ =	shalt  }
0x86: {  	_ =	shalt  }
0x87: {  	_ =	shalt  }
.Lfunc_end0:
.L_simem_size_0:
called_computation_lowered:
.L_overlay_start_0:
0x88: {  	s2 =	sld [smem:$0x3FD9]  }
0x89: {  	s3 =	sld [smem:$0x3FFE];
	_ =	sdelay $0x1  }
0x8a: {  	s1 =	srdreg.scid  }
0x8b: {  	s0 =	sand.u32 $0x1, s1  }
0x8c: {  	s17 =	sshll.u32 s0, $0xA;
	s2 =	sadd.s32 s3, s2  }
0x8d: {  	s2 =	sadd.s32 s2, s17  }
0x8e: {  	[smem:$0x3FC0] =	sst s2  }
0x8f: {  	_ = 	snop  }
0x90: {  	s2 =	sld [smem:$0x3FD0];
	(tm) =	ssettm $0x1  }
0x91: {  	s18 =	sld [smem:$0x3FFB];
	_ =	sdelay $0x3  }
0x92: {  	_ =	strace s18  }
0x93: {  	s3 =	sld [smem:$0x3FFC];
	_ =	sdelay $0x3  }
0x94: {  	_ =	strace s3  }
0x95: {  	s3 =	sld [smem:$0x3FFD];
	_ =	sdelay $0x3  }
0x96: {  	_ =	strace s3  }
0x97: {  	_ =	strace $0x8FFFFFFF  }
0x98: {  	s19 =	sld [smem:$0x3FDB];
	_ =	sdelay $0x1  }
0x99: {  	s4 =	simm.s32 $_scs_section_size  }
0x9a: {  	s5 =	simm.s32 $_size__tile_overlayer_lowered;
	s6 =	simm.s32 $_tile_overlayer_lowered  }
0x9b: {  	s22 =	simm.s32 $0x1BFF;
	s21 =	sshll.u32 s6, $0x1;
	s3 =	sadd.s32 s4, s19  }
0x9c: {  	s7 =	simm.s32 $0x0;
	s20 =	sshll.u32 s5, $0x1;
	s5 =	sadd.s32 s21, s3  }
0x9d: {  	[timem:s7], [sflag:s22] =	dma.local [hbm:s5], s20  }
0x9e: {  	_ =	swait.ge [sflag:s22], s20  }
0x9f: {  	s4 =	ssub.s32 $0x0, s20;
	[sflag:s22] =	ssyncset.done $0x0  }
0xa0: {  	[sflag:s22] =	ssyncadd.s32 s4;
	_ =	sdelay $0x1  }
0xa1: {  	s23 =	simm.s32 $0x1B8B  }
0xa2: {  	_ =	swait.ge [sflag:s23], $0x1  }
0xa3: {  	[sflag:s23] =	ssyncset.done $0x0  }
0xa4: {  	s25 =	simm.s32 $0x1B8E;
	s24 =	sld [smem:$0x3FFE];
	[sflag:s23] =	ssyncadd.s32 $0xFFFFFFFF  }
0xa5: {  	s26 =	simm.s32 $execute0_lowered;
	[smem:$0x3FD2] =	sst s25  }
0xa6: {  	s5 =	sshll.u32 s26, $0x1;
	_ =	strace $0x80000046;
	[dreg:$0x1] =	wrdreg $0xFFFFFFFF  }
0xa7: {  	s28 =	simm.s32 $_size_execute0_lowered;
	s3 =	sadd.s32 s3, s5;
	[dreg:$0x0] =	wrdreg $0x0  }
0xa8: {  	s5 =	sshll.u32 s28, $0x1;
	[dreg:$0x2] =	wrdreg s3  }
0xa9: {  	[dreg:$0x3] =	wrdreg s5  }
0xaa: {  	[dreg:$0x4] =	wrdreg $0xC0  }
0xab: {  	_ =	task [dreg:s7], $0x5FFFF  }
0xac: {  	[dreg:$0x1] =	wrdreg $0xFFFFFFFF  }
0xad: {  	[dreg:$0x0] =	wrdreg $0x60  }
0xae: {  	[dreg:$0x2] =	wrdreg s2  }
0xaf: {  	[dreg:$0x3] =	wrdreg s24  }
0xb0: {  	[dreg:$0x4] =	wrdreg $0x2B000  }
0xb1: {  	[dreg:$0x5] =	wrdreg $0x9  }
0xb2: {  	_ =	task.clear_ibuf [dreg:s7], $0x6FFFF;
	_ =	strace $0x90000046  }
0xb3: {  	s29 =	simm.s32 $0x9;
	_ =	strace $0x80000048  }
0xb4: {  	_ =	swait.ge [sflag:s29], $0x1  }
0xb5: {  	[sflag:s29] =	ssyncadd.s32 $0xFFFFFFFF  }
0xb6: {  	_ =	strace $0x90000048  }
0xb7: {  	_ =	sfence  }
0xb8: {  	s30 =	sld [smem:$0x0];
	_ =	sdelay $0x2  }
0xb9: {  	s31 =	sshll.u32 s1, $0xD;
	s1 =	sshrl.u32 s1, $0x2  }
0xba: {  	s3 =	sand.u32 $0x4000, s31;
	s1 =	sadd.s32 s1, s30  }
0xbb: {  	s0 =	sor.u32 s3, s0;
	s1 =	sshll.u32 s1, $0x11  }
0xbc: {  	s0 =	sor.u32 s1, s0  }
0xbd: {  	s0 =	sadd.s32 $0x8F2B, s0  }
0xbe: {  	[sflag:s0] =	ssyncadd.remote.s32 $0x1  }
0xbf: {  	_ =	sfence.sel $0xFFFF  }
0xc0: {  	[dreg:$0x0] =	wrdreg $0xFFFFFFFF;
	(pc) =	sbr.abs _section_cstart, $3  }
0xc1: {  	[dreg:$0x1] =	wrdreg $0xFFFFFFFF  }
0xc2: {  	_ =	task.clear_ibuf [dreg:s7], $0x2FFFF;
	_ =	strace $0x9FFFFFFF  }
0xc3: {  	(tm) =	ssettm $0x7FFFFFFF  }
tec
execute0_lowered:
.L_overlay_start_1:
0x0: {  	(tag) =	ssettag $0x1  }
0x1: {  	s4 =	rddreg [dreg:$0x0]  }
0x2: {  	s5 =	rddreg [dreg:$0x1];
	s1 =	srdreg.scid  }
0x3: {  	s0 =	stileid.u32;
	s2 =	rddreg [dreg:$0x2];
	s3 =	simm.s32 $0x0  }
0x4: {  	s11 =	simm.s32 $0x2800;
	s6 =	sand.u32 $0x1, s1;
	s7 =	smul.u32 $0x280, s0  }
0x5: {  	s1 =	rddreg [dreg:$0x3];
	s8 =	smul.u32 $0x2800, s6;
	s9 =	sshll.u32 s6, $0x4  }
0x6: {  	s12 =	simm.s32 $0x0;
	[smem:$0x7FF] =	sst s3;
	s9 =	sor.u32 s0, s9  }
0x7: {  	s6 =	ssub.s32 $0x2, s6;
	s8 =	sadd.s32 s7, s8;
	s9 =	smul.u32 $0x500, s9  }
0x8: {  	_ =	strace $0x80000047;
	s10 =	sshrl.u32 s6, $0x1;
	s8 =	sshrl.u32 s8, $0x3  }
0x9: {  	s10 =	ssub.s32 s6, s10;
	s8 =	sadd.s32 s8, s5;
	s4 =	sadd.s32 s4, s9  }
0xa: {  	s5 =	sadd.s32 s7, s2;
	s7 =	smax.u32 s10, $0x1;
	s9 =	simm.s32 $0x2880  }
0xb: {  	v0 =	vimm.f32 $1.000000000e+00;
	v1 =	vimm.f32 $0.0e+00;
	s10 =	simm.s32 $0x80;
	s6 =	sadd.s32 $0x3C00, s8;
	s8 =	simm.s32 $0x1  }
.LBB2_1:
0xc: {  	[tilespmem:$0x2800] =	vst v0  }
0xd: {  	[tilespmem:$0x2810] =	vst v0  }
0xe: {  	[tilespmem:$0x2820] =	vst v0  }
0xf: {  	[tilespmem:$0x2830] =	vst v0  }
0x10: {  	[tilespmem:$0x2840] =	vst v0  }
0x11: {  	[tilespmem:$0x2850] =	vst v0  }
0x12: {  	[tilespmem:$0x2860] =	vst v0  }
0x13: {  	[tilespmem:$0x2870] =	vst v0  }
0x14: {  	[tilespmem:$0x2880] =	vst v1  }
0x15: {  	[tilespmem:$0x2890] =	vst v1  }
0x16: {  	[tilespmem:$0x28A0] =	vst v1  }
0x17: {  	[tilespmem:$0x28B0] =	vst v1  }
0x18: {  	[tilespmem:$0x28C0] =	vst v1  }
0x19: {  	[tilespmem:$0x28D0] =	vst v1  }
0x1a: {  	[tilespmem:$0x28E0] =	vst v1  }
0x1b: {  	[tilespmem:$0x28F0] =	vst v1  }
0x1c: {  	[tilespmem:$0x2900] =	vst v1  }
0x1d: {  	[tilespmem:$0x2910] =	vst v1  }
0x1e: {  	[tilespmem:$0x2920] =	vst v1  }
0x1f: {  	[tilespmem:$0x2930] =	vst v1  }
0x20: {  	[tilespmem:$0x2940] =	vst v1  }
0x21: {  	[tilespmem:$0x2950] =	vst v1  }
0x22: {  	[tilespmem:$0x2960] =	vst v1  }
0x23: {  	[tilespmem:$0x2970] =	vst v1  }
0x24: {  	[tilespmem:$0x2980] =	vst v1  }
0x25: {  	[tilespmem:$0x2990] =	vst v1  }
0x26: {  	[tilespmem:$0x29A0] =	vst v1  }
0x27: {  	[tilespmem:$0x29B0] =	vst v1  }
0x28: {  	[tilespmem:$0x29C0] =	vst v1  }
0x29: {  	[tilespmem:$0x29D0] =	vst v1  }
0x2a: {  	[tilespmem:$0x29E0] =	vst v1  }
0x2b: {  	[tilespmem:$0x29F0] =	vst v1  }
0x2c: {  	[tilespmem:$0x2A00] =	vst v1  }
0x2d: {  	[tilespmem:$0x2A10] =	vst v1  }
0x2e: {  	[tilespmem:$0x2A20] =	vst v1  }
0x2f: {  	[tilespmem:$0x2A30] =	vst v1  }
0x30: {  	[tilespmem:$0x2A40] =	vst v1  }
0x31: {  	[tilespmem:$0x2A50] =	vst v1  }
0x32: {  	[tilespmem:$0x2A60] =	vst v1  }
0x33: {  	[tilespmem:$0x2A70] =	vst v1  }
0x34: {  	[tilespmem:$0x2A80] =	vst v1  }
0x35: {  	[tilespmem:$0x2A90] =	vst v1  }
0x36: {  	[tilespmem:$0x2AA0] =	vst v1  }
0x37: {  	[tilespmem:$0x2AB0] =	vst v1  }
0x38: {  	[tilespmem:$0x2AC0] =	vst v1  }
0x39: {  	[tilespmem:$0x2AD0] =	vst v1  }
0x3a: {  	[tilespmem:$0x2AE0] =	vst v1  }
0x3b: {  	[tilespmem:$0x2AF0] =	vst v1  }
0x3c: {  	[tilespmem:s3], [sflag:$0x1] =	stream.linear.gather [hbm4b:s4+s3], $0x2800, $0x38;
	[tilespmem:$0x2D80] =	vst v63  }
0x3d: {  	_ =	swait.ge [sflag:s8], $0x2800  }
0x3e: {  	[sflag:s8] =	ssyncset.done $0x0  }
0x3f: {  	[sflag:s8] =	ssyncadd.s32 $0xFFFFD800  }
0x40: {  	[spmem:s5] =	stream.linear.scatter [tilespmem:s9], [sflag:$0x1], $0x280, $0x38;
	[tilespmem:$0x2D80] =	vst v63  }
0x41: {  	_ =	swait.ge [sflag:s8], $0x280  }
0x42: {  	[sflag:s8] =	ssyncset.done $0x0  }
0x43: {  	[sflag:s8] =	ssyncadd.s32 $0xFFFFFD80  }
0x44: {  	s13 =	simm.s32 $0x0;
	[bflag:$0x0] =	sbarrier.arrive $0xFFFF  }
0x45: {  	[spmem:s2] =	stream.indirect.scatter.add.f32 [tilespmem:s11], [sflag:$0x1], $0x1, s13, s10, $0xb8;
	[tilespmem:$0x2D80] =	vst v63  }
0x46: {  	_ =	swait.ge [sflag:s8], $0x80  }
0x47: {  	s13 =	simm.s32 $0x200;
	[sflag:s8] =	ssyncset.done $0x0  }
.LBB2_2:
0x48: {  	s14 =	sshra.s32 s13, $0x2;
	[sflag:s8] =	ssyncadd.s32 $0xFFFFFF80;
	p0 =	sne.s32 s13, $0x9E00  }
0x49: {  	[spmem:s2] =	stream.indirect.scatter.add.f32 [tilespmem:s11], [sflag:$0x1], $0x1, s14, s10, $0xb8;
	[tilespmem:$0x2D80] =	vst v63  }
.Ltmp0:
0x4a: {  	_ = 	snop;
	(pc) =	sbr.rel @p0 .LBB2_2-.Ltmp0, $4  }
0x4b: {  	_ = 	snop  }
0x4c: {  	s13 =	sadd.s32 $0x200, s13  }
0x4d: {  	_ =	swait.ge [sflag:s8], $0x80  }
0x4e: {  	[sflag:s8] =	ssyncset.done $0x0  }
0x4f: {  	[sflag:s8] =	ssyncadd.s32 $0xFFFFFF80  }
0x50: {  	[bflag:$0x0] =	sbarrier.arrive $0xFFFF  }
0x51: {  	[tilespmem:s9], [sflag:$0x1] =	stream.linear.gather [spmem:s5], $0x280, $0x38;
	[tilespmem:$0x2D80] =	vst v63  }
0x52: {  	s12 =	sadd.s32 $0x1, s12;
	_ =	swait.ge [sflag:s8], $0x280  }
0x53: {  	p0 =	sne.s32 s12, s7;
	[sflag:s8] =	ssyncset.done $0x0  }
.Ltmp1:
0x54: {  	[sflag:s8] =	ssyncadd.s32 $0xFFFFFD80;
	(pc) =	sbr.rel @p0 .LBB2_1-.Ltmp1, $4  }
0x55: {  	[hbm4b:s6+s3] =	stream.linear.scatter [tilespmem:s9], [sflag:$0x1], $0x280, $0x38;
	[tilespmem:$0x2D80] =	vst v63  }
0x56: {  	_ =	swait.ge [sflag:s8], $0x280  }
0x57: {  	[sflag:s8] =	ssyncset.done $0x0  }
0x58: {  	[sflag:s8] =	ssyncadd.s32 $0xFFFFFD80  }
0x59: {  	_ =	sfence.sel $0x180000  }
0x5a: {  	[bflag:$0x0] =	sbarrier.arrive $0xFFFF  }
0x5b: {  	p0 =	sne.s32 s0, $0x0;
	_ =	strace $0x90000047  }
0x5c: {  	s0 =	sadd.s32 @!p0 $0x100000, s1;
	[bflag:$0x2] =	sbarrier.arrive $0xFFFF  }
0x5d: {  	[sflag:s0] =	ssyncadd.tile.s32 @!p0 $0x1;
	_ =	shalt  }
.Lfunc_end2:
_tile_overlayer_lowered:
.L_overlay_start_2:
0x5e: {  	(tag) =	ssettag $0x2  }
0x5f: {  	s0 =	rddreg [dreg:$0x0];
	s2 =	stileid.u32  }
0x60: {  	s1 =	rddreg [dreg:$0x1];
	p0 =	sne.s32 s2, $0x0  }
0x61: {  	s3 =	rddreg [dreg:$0x2];
	[bflag:$0x3] =	sbarrier.arrive $0xFFFF;
	s2 =	simm.s32 @!p0 $0x1C01  }
0x62: {  	[timem:s3], [sflag:s2] =	dma.local @!p0 [hbm:s0], s1  }
0x63: {  	s0 =	simm.s32 @!p0 $0x1  }
0x64: {  	_ =	swait.ge @!p0 [sflag:s0], s1  }
0x65: {  	s1 =	ssub.s32 @!p0 $0x0, s1;
	[sflag:s0] =	ssyncset.done @!p0 $0x0  }
0x66: {  	[sflag:s0] =	ssyncadd.s32 @!p0 s1  }
0x67: {  	[bflag:$0x3] =	sbarrier.arrive $0xFFFF  }
0x68: {  	_ =	shalt  }

// kernel: kernel.13.cloned.1.call-start
scs
__scs_entry_jumppad:
0x0: {  	(pc) =	sbr.rel $0x88, $3  }
0x1: {  	(tag) =	ssettag $0x0;
	lr =	simm.s32 $0x1  }
0x2: {  	[smem:$0x3F99] =	sst lr;
	_ =	strace $0xD0000000  }
0x3: {  	_ = 	snop  }
0x4: {  	_ = 	snop  }
0x5: {  	_ = 	snop  }
0x6: {  	_ = 	snop  }
0x7: {  	_ = 	snop  }
__scs_overlays_trampoline_lowered:
0x8: {  	[smem:$0x3FA8] =	sst s0  }
0x9: {  	[smem:$0x3FA9] =	sst s1  }
0xa: {  	[smem:$0x3FAA] =	sst s2  }
0xb: {  	[smem:$0x3FAB] =	sst s3  }
0xc: {  	[smem:$0x3FAC] =	sst s4  }
0xd: {  	[smem:$0x3FAD] =	sst s5  }
0xe: {  	[smem:$0x3FAE] =	sst s6  }
0xf: {  	[smem:$0x3FAF] =	sst s7  }
0x10: {  	[smem:$0x3FB0] =	sst s8  }
0x11: {  	[smem:$0x3FB1] =	sst s9;
	s0 =	simm.s32 @!p0 $0x0  }
0x12: {  	s1 =	sld [smem:$0x3F97];
	s0 =	simm.s32 @p0 $0x1  }
0x13: {  	[smem:$0x3FB2] =	sst s0;
	s0 =	simm.s32 @!p1 $0x0  }
0x14: {  	s2 =	sld [smem:$0x3F96];
	s0 =	simm.s32 @p1 $0x1  }
0x15: {  	[smem:$0x3FB3] =	sst s0;
	s0 =	simm.s32 @!p2 $0x0  }
0x16: {  	s3 =	sld [smem:$0x3FDB];
	s0 =	simm.s32 @p2 $0x1  }
0x17: {  	s4 =	simm.s32 $0x1BF5;
	[smem:$0x3FB5] =	sst s0  }
0x18: {  	s0 =	sld [smem:$0x3F98];
	_ =	swait.ge [sflag:s4], $0x0  }
0x19: {  	s7 =	sld [smem:$0x3F99]  }
0x1a: {  	s8 =	sadd.s32 $0xFFFFE003, lr  }
0x1b: {  	s9 =	sadd.s32 $0xFFFFFEF7, lr;
	s5 =	simm.s32 $0xFFFFFFFF;
	p2 =	slt.u32 s8, $0xFFFFF086  }
0x1c: {  	p1 =	slt.u32 s9, $0xF7A;
	s5 =	simm.s32 @!p2 $0x0  }
0x1d: {  	s5 =	simm.s32 @p1 $0x1;
	p0 =	seq.s32 s7, s2  }
0x1e: {  	s7 =	smul.u32 @!p0 $0xF7A, s2;
	p2 =	seq.s32 @!p0 s5, $0x0  }
0x1f: {  	s9 =	smul.u32 $0xF7A, s1;
	s8 =	simm.s32 @!p0 $0x1BF5;
	p2 =	por !p2, p0  }
0x20: {  	[sflag:s8] =	ssyncset.s32 @!p0 $0xFFFFF086;
	s6 =	sadd.s32 @!p0 s3, s7;
	s7 =	simm.s32 @!p0 $0x108  }
0x21: {  	s3 =	sadd.s32 s3, s9;
	s6 =	sadd.s32 @!p0 $0x88, s6;
	s7 =	simm.s32 @p2 $0x1082  }
0x22: {  	[simem:s7], [sflag:s8] =	dma.local @!p0 [hbm:s6], $0xF7A  }
0x23: {  	s9 =	sor.u32 $0xD0000000, s2;
	s6 =	simm.s32 $0x108;
	_ =	swait.ge @!p0 [sflag:s8], $0x0  }
0x24: {  	s3 =	sadd.s32 $0x88, s3;
	s6 =	simm.s32 @!p1 $0x1082;
	[sflag:s4] =	ssyncset.s32 $0xFFFFF086  }
0x25: {  	[simem:s6], [sflag:s4] =	dma.local [hbm:s3], $0xF7A  }
0x26: {  	[smem:$0x3F99] =	sst s1;
	(tag) =	ssettag s2;
	_ =	strace s9  }
0x27: {  	s1 =	sld [smem:$0x3FA9]  }
0x28: {  	s2 =	sld [smem:$0x3FAA]  }
0x29: {  	s4 =	sld [smem:$0x3FAC]  }
0x2a: {  	p0 =	seq.s32 s5, $0x0;
	s5 =	sld [smem:$0x3FAD]  }
0x2b: {  	s6 =	sld [smem:$0x3FAE]  }
0x2c: {  	s7 =	sld [smem:$0x3FAF]  }
0x2d: {  	s3 =	simm.s32 $0x108;
	s8 =	sld [smem:$0x3FB0]  }
0x2e: {  	s3 =	simm.s32 @!p0 $0x1082;
	s9 =	sld [smem:$0x3FB1]  }
0x2f: {  	lr =	sadd.s32 s0, s3;
	s0 =	sld [smem:$0x3FA8]  }
0x30: {  	s3 =	sld [smem:$0x3FAB]  }
0x31: {  	[smem:$0x3FB4] =	sst s10  }
0x32: {  	s10 =	sld [smem:$0x3FB2];
	_ =	sdelay $0x3  }
0x33: {  	p0 =	seq.s32 s10, $0x1;
	s10 =	sld [smem:$0x3FB4];
	_ =	sdelay $0x3  }
0x34: {  	[smem:$0x3FB4] =	sst s10  }
0x35: {  	s10 =	sld [smem:$0x3FB3];
	_ =	sdelay $0x3  }
0x36: {  	p1 =	seq.s32 s10, $0x1;
	s10 =	sld [smem:$0x3FB4];
	_ =	sdelay $0x3  }
0x37: {  	[smem:$0x3FB4] =	sst s10  }
0x38: {  	s10 =	sld [smem:$0x3FB5]  }
0x39: {  	_ = 	snop;
	(pc) =	sbr.ind lr, $3  }
0x3a: {  	_ = 	snop  }
0x3b: {  	_ = 	snop  }
0x3c: {  	p2 =	seq.s32 s10, $0x1;
	s10 =	sld [smem:$0x3FB4]  }
0x3d: {  	_ =	shalt  }
0x3e: {  	_ =	shalt  }
0x3f: {  	_ =	shalt  }
0x40: {  	_ =	shalt  }
0x41: {  	_ =	shalt  }
0x42: {  	_ =	shalt  }
0x43: {  	_ =	shalt  }
0x44: {  	_ =	shalt  }
0x45: {  	_ =	shalt  }
0x46: {  	_ =	shalt  }
0x47: {  	_ =	shalt  }
0x48: {  	_ =	shalt  }
0x49: {  	_ =	shalt  }
0x4a: {  	_ =	shalt  }
0x4b: {  	_ =	shalt  }
0x4c: {  	_ =	shalt  }
0x4d: {  	_ =	shalt  }
0x4e: {  	_ =	shalt  }
0x4f: {  	_ =	shalt  }
0x50: {  	_ =	shalt  }
0x51: {  	_ =	shalt  }
0x52: {  	_ =	shalt  }
0x53: {  	_ =	shalt  }
0x54: {  	_ =	shalt  }
0x55: {  	_ =	shalt  }
0x56: {  	_ =	shalt  }
0x57: {  	_ =	shalt  }
0x58: {  	_ =	shalt  }
0x59: {  	_ =	shalt  }
0x5a: {  	_ =	shalt  }
0x5b: {  	_ =	shalt  }
0x5c: {  	_ =	shalt  }
0x5d: {  	_ =	shalt  }
0x5e: {  	_ =	shalt  }
0x5f: {  	_ =	shalt  }
0x60: {  	_ =	shalt  }
0x61: {  	_ =	shalt  }
0x62: {  	_ =	shalt  }
0x63: {  	_ =	shalt  }
0x64: {  	_ =	shalt  }
0x65: {  	_ =	shalt  }
0x66: {  	_ =	shalt  }
0x67: {  	_ =	shalt  }
0x68: {  	_ =	shalt  }
0x69: {  	_ =	shalt  }
0x6a: {  	_ =	shalt  }
0x6b: {  	_ =	shalt  }
0x6c: {  	_ =	shalt  }
0x6d: {  	_ =	shalt  }
0x6e: {  	_ =	shalt  }
0x6f: {  	_ =	shalt  }
0x70: {  	_ =	shalt  }
0x71: {  	_ =	shalt  }
0x72: {  	_ =	shalt  }
0x73: {  	_ =	shalt  }
0x74: {  	_ =	shalt  }
0x75: {  	_ =	shalt  }
0x76: {  	_ =	shalt  }
0x77: {  	_ =	shalt  }
0x78: {  	_ =	shalt  }
0x79: {  	_ =	shalt  }
0x7a: {  	_ =	shalt  }
0x7b: {  	_ =	shalt  }
0x7c: {  	_ =	shalt  }
0x7d: {  	_ =	shalt  }
0x7e: {  	_ =	shalt  }
0x7f: {  	_ =	shalt  }
0x80: {  	_ =	shalt  }
0x81: {  	_ =	shalt  }
0x82: {  	_ =	shalt  }
0x83: {  	_ =	shalt  }
0x84: {  	_ =	shalt  }
0x85: {  	_ =	shalt  }
0x86: {  	_ =	shalt  }
0x87: {  	_ =	shalt  }
.Lfunc_end0:
.L_simem_size_0:
called_computation.1_lowered:
.L_overlay_start_0:
0x88: {  	s2 =	sld [smem:$0x3FD9]  }
0x89: {  	s3 =	sld [smem:$0x3FFE];
	_ =	sdelay $0x1  }
0x8a: {  	s1 =	srdreg.scid  }
0x8b: {  	s0 =	sand.u32 $0x1, s1  }
0x8c: {  	s16 =	sshll.u32 s0, $0xA;
	s2 =	sadd.s32 s3, s2  }
0x8d: {  	s2 =	sadd.s32 s2, s16  }
0x8e: {  	[smem:$0x3FC0] =	sst s2  }
0x8f: {  	_ = 	snop  }
0x90: {  	(tm) =	ssettm $0x1  }
0x91: {  	s17 =	sld [smem:$0x3FFB];
	_ =	sdelay $0x3  }
0x92: {  	_ =	strace s17  }
0x93: {  	s2 =	sld [smem:$0x3FFC];
	_ =	sdelay $0x3  }
0x94: {  	_ =	strace s2  }
0x95: {  	s2 =	sld [smem:$0x3FFD];
	_ =	sdelay $0x3  }
0x96: {  	_ =	strace s2  }
0x97: {  	_ =	strace $0x8FFFFFFF  }
0x98: {  	s18 =	sld [smem:$0x3FDB];
	_ =	sdelay $0x1  }
0x99: {  	s19 =	simm.s32 $_scs_section_size  }
0x9a: {  	s4 =	simm.s32 $_size__tile_overlayer_lowered;
	s5 =	simm.s32 $_tile_overlayer_lowered  }
0x9b: {  	s22 =	simm.s32 $0x1BFF;
	s21 =	sshll.u32 s5, $0x1;
	s2 =	sadd.s32 s19, s18  }
0x9c: {  	s6 =	simm.s32 $0x0;
	s20 =	sshll.u32 s4, $0x1;
	s4 =	sadd.s32 s21, s2  }
0x9d: {  	[timem:s6], [sflag:s22] =	dma.local [hbm:s4], s20  }
0x9e: {  	_ =	swait.ge [sflag:s22], s20  }
0x9f: {  	s3 =	ssub.s32 $0x0, s20;
	[sflag:s22] =	ssyncset.done $0x0  }
0xa0: {  	[sflag:s22] =	ssyncadd.s32 s3;
	_ =	sdelay $0x1  }
0xa1: {  	s23 =	simm.s32 $0x1B8B  }
0xa2: {  	_ =	swait.ge [sflag:s23], $0x1  }
0xa3: {  	[sflag:s23] =	ssyncset.done $0x0  }
0xa4: {  	s25 =	simm.s32 $0x1B8E;
	s24 =	sld [smem:$0x3FFE];
	[sflag:s23] =	ssyncadd.s32 $0xFFFFFFFF  }
0xa5: {  	s26 =	simm.s32 $execute0_lowered;
	[smem:$0x3FD2] =	sst s25  }
0xa6: {  	s4 =	sshll.u32 s26, $0x1;
	_ =	strace $0x80000049;
	[dreg:$0x1] =	wrdreg $0xFFFFFFFF  }
0xa7: {  	s28 =	simm.s32 $_size_execute0_lowered;
	s2 =	sadd.s32 s2, s4;
	[dreg:$0x0] =	wrdreg $0x0  }
0xa8: {  	s4 =	sshll.u32 s28, $0x1;
	[dreg:$0x2] =	wrdreg s2  }
0xa9: {  	[dreg:$0x3] =	wrdreg s4  }
0xaa: {  	[dreg:$0x4] =	wrdreg $0xC0  }
0xab: {  	_ =	task [dreg:s6], $0x5FFFF  }
0xac: {  	[dreg:$0x1] =	wrdreg $0xFFFFFFFF  }
0xad: {  	[dreg:$0x0] =	wrdreg $0x60  }
0xae: {  	[dreg:$0x2] =	wrdreg s24  }
0xaf: {  	[dreg:$0x3] =	wrdreg $0x180000  }
0xb0: {  	[dreg:$0x4] =	wrdreg $0x9  }
0xb1: {  	_ =	task.clear_ibuf [dreg:s6], $0x5FFFF;
	_ =	strace $0x90000049  }
0xb2: {  	s29 =	simm.s32 $0x9;
	_ =	strace $0x8000004B  }
0xb3: {  	_ =	swait.ge [sflag:s29], $0x1  }
0xb4: {  	[sflag:s29] =	ssyncadd.s32 $0xFFFFFFFF  }
0xb5: {  	_ =	strace $0x9000004B  }
0xb6: {  	_ =	sfence  }
0xb7: {  	s30 =	sld [smem:$0x0];
	_ =	sdelay $0x2  }
0xb8: {  	s31 =	sshll.u32 s1, $0xD;
	s1 =	sshrl.u32 s1, $0x2  }
0xb9: {  	s3 =	sand.u32 $0x4000, s31;
	s1 =	sadd.s32 s1, s30  }
0xba: {  	s0 =	sor.u32 s3, s0;
	s1 =	sshll.u32 s1, $0x11  }
0xbb: {  	s0 =	sor.u32 s1, s0  }
0xbc: {  	s0 =	sadd.s32 $0x8F2B, s0  }
0xbd: {  	[sflag:s0] =	ssyncadd.remote.s32 $0x1  }
0xbe: {  	_ =	sfence.sel $0xFFFF  }
0xbf: {  	[dreg:$0x0] =	wrdreg $0xFFFFFFFF;
	(pc) =	sbr.abs _section_cstart, $3  }
0xc0: {  	[dreg:$0x1] =	wrdreg $0xFFFFFFFF  }
0xc1: {  	_ =	task.clear_ibuf [dreg:s6], $0x2FFFF;
	_ =	strace $0x9FFFFFFF  }
0xc2: {  	(tm) =	ssettm $0x7FFFFFFF  }
0xc3: {  	_ =	shalt  }
tec
execute0_lowered:
.L_overlay_start_1:
0x0: {  	(tag) =	ssettag $0x1  }
0x1: {  	s5 =	rddreg [dreg:$0x0]  }
0x2: {  	s2 =	rddreg [dreg:$0x1]  }
0x3: {  	s0 =	rddreg [dreg:$0x2]  }
0x4: {  	s1 =	stileid.u32;
	s4 =	srdreg.scid;
	s3 =	simm.s32 $0x0  }
0x5: {  	s14 =	simm.s32 $0xE000;
	s15 =	simm.s32 $0x80;
	s6 =	smul.u32 $0x5000, s1  }
0x6: {  	s16 =	simm.s32 $0xA000;
	s17 =	simm.s32 $0x1;
	s8 =	smul.u32 $0xA0, s1  }
0x7: {  	s18 =	simm.s32 $0x13000;
	s7 =	sand.u32 $0x1, s4;
	s28 =	smul.u32 $0x14000, s1  }
0x8: {  	s19 =	simm.s32 $0x0;
	[smem:$0x7FF] =	sst s3;
	s4 =	smul.u32 $0x50000, s7  }
0x9: {  	_ =	strace $0x8000004A;
	s10 =	smul.u32 $0xA00, s7;
	s7 =	ssub.s32 $0x2, s7  }
0xa: {  	s9 =	sshrl.u32 s6, $0x3;
	s30 =	sshrl.u32 s7, $0x1;
	s31 =	sshrl.u32 s28, $0x2  }
0xb: {  	s6 =	sadd.s32 s6, s4;
	s4 =	sadd.s32 $0x36600, s5;
	s9 =	sadd.s32 s9, s5  }
0xc: {  	s8 =	sadd.s32 s8, s10;
	s13 =	ssub.s32 s7, s30;
	s6 =	sshrl.u32 s6, $0x3  }
0xd: {  	s7 =	sadd.s32 s31, s2;
	s29 =	sshll.u32 s8, $0x4;
	s11 =	sadd.s32 s6, s5  }
0xe: {  	s12 =	sadd.s32 s29, s5;
	s5 =	sadd.s32 $0x4600, s9;
	s6 =	sadd.s32 $0xE600, s11  }
0xf: {  	s8 =	sadd.s32 $0x5E600, s12;
	s9 =	sadd.s32 $0x22600, s11;
	s10 =	sadd.s32 $0x72600, s12  }
0x10: {  	v0 =	vimm.f32 $0.0e+00;
	s11 =	smax.u32 s13, $0x1;
	s12 =	simm.s32 $0x2;
	s13 =	simm.s32 $0x5000  }
.LBB2_1:
0x11: {  	s20 =	simm.s32 $0x70;
	s21 =	simm.s32 $0x3C0  }
.LBB2_2:
0x12: {  	p0 =	sne.s32 s21, $0x13FC0;
	[tilespmem:s20+$0xE000] =	vst v0  }
0x13: {  	[tilespmem:s20+$0xDF90] =	vst v0  }
0x14: {  	[tilespmem:s20+$0xDFA0] =	vst v0  }
.Ltmp0:
0x15: {  	[tilespmem:s20+$0xDFB0] =	vst v0;
	(pc) =	sbr.rel @p0 .LBB2_2-.Ltmp0, $4  }
0x16: {  	[tilespmem:s20+$0xDFC0] =	vst v0  }
0x17: {  	[tilespmem:s20+$0xDFD0] =	vst v0  }
0x18: {  	[tilespmem:s20+$0xDFE0] =	vst v0  }
0x19: {  	[tilespmem:s20+$0xDFF0] =	vst v0;
	s20 =	sshra.s32 s21, $0x2;
	s21 =	sadd.s32 $0x200, s21  }
0x1a: {  	[tilespmem:s20+$0xE000] =	vst v0  }
0x1b: {  	[tilespmem:s20+$0xDF90] =	vst v0  }
0x1c: {  	[tilespmem:s20+$0xDFA0] =	vst v0  }
0x1d: {  	[tilespmem:s20+$0xDFB0] =	vst v0  }
0x1e: {  	[tilespmem:s20+$0xDFC0] =	vst v0  }
0x1f: {  	[tilespmem:s20+$0xDFD0] =	vst v0  }
0x20: {  	[tilespmem:s20+$0xDFE0] =	vst v0  }
0x21: {  	[tilespmem:s20+$0xDFF0] =	vst v0;
	s29 =	simm.s32 $0x0  }
0x22: {  	[tilespmem:s29], [sflag:$0x2] =	stream.linear.gather [hbm4b:s5+s29], $0x5000, $0x38;
	[tilespmem:$0x1D400] =	vst v63  }
0x23: {  	_ =	swait.ge [sflag:s12], $0x5000  }
0x24: {  	[sflag:s12] =	ssyncset.done $0x0  }
0x25: {  	[sflag:s12] =	ssyncadd.s32 $0xFFFFB000  }
0x26: {  	[tilespmem:s13], [sflag:$0x2] =	stream.linear.gather [hbm4b:s6+s29], $0x5000, $0x38;
	[tilespmem:$0x1D400] =	vst v63  }
0x27: {  	_ =	swait.ge [sflag:s12], $0x5000  }
0x28: {  	[sflag:s12] =	ssyncset.done $0x0  }
0x29: {  	[sflag:s12] =	ssyncadd.s32 $0xFFFFB000  }
0x2a: {  	[spmem:s7] =	stream.linear.scatter [tilespmem:s14], [sflag:$0x2], $0x5000, $0x38;
	[tilespmem:$0x1D400] =	vst v63  }
0x2b: {  	_ =	swait.ge [sflag:s12], $0x5000  }
0x2c: {  	[sflag:s12] =	ssyncset.done $0x0  }
0x2d: {  	[sflag:s12] =	ssyncadd.s32 $0xFFFFB000  }
0x2e: {  	s30 =	simm.s32 $0x0;
	[bflag:$0x0] =	sbarrier.arrive $0xFFFF  }
0x2f: {  	[tilespmem:s16], [sflag:$0x1] =	stream.indirect.gather [hbm4b:s4+s15], $0x80, s30, s15, $0xb8;
	[tilespmem:$0x1D400] =	vst v63  }
0x30: {  	_ =	swait.ge [sflag:s17], $0x4000  }
0x31: {  	[sflag:s17] =	ssyncset.done $0x0  }
0x32: {  	s31 =	simm.s32 $0x5000;
	[sflag:s17] =	ssyncadd.s32 $0xFFFFC000  }
0x33: {  	[spmem:s2] =	stream.indirect.scatter.add.f32 [tilespmem:s16], [sflag:$0x2], $0x80, s31, s15, $0xb8;
	[tilespmem:$0x1D400] =	vst v63  }
0x34: {  	_ =	swait.ge [sflag:s12], $0x4000  }
0x35: {  	s20 =	simm.s32 $0x200;
	s21 =	simm.s32 $0x400;
	[sflag:s12] =	ssyncset.done $0x0  }
.LBB2_4:
0x36: {  	s22 =	sshra.s32 s20, $0x2  }
0x37: {  	[sflag:s12] =	ssyncadd.s32 $0xFFFFC000;
	s20 =	smov.u32 s21;
	s23 =	sadd.s32 $0x200, s21  }
0x38: {  	[tilespmem:s16], [sflag:$0x1] =	stream.indirect.gather [hbm4b:s4+s15], $0x80, s22, s15, $0xb8;
	[tilespmem:$0x1D400] =	vst v63  }
0x39: {  	p0 =	sne.s32 s21, $0x13E00;
	_ =	swait.ge [sflag:s17], $0x4000  }
.Ltmp1:
0x3a: {  	[sflag:s17] =	ssyncset.done $0x0;
	(pc) =	sbr.rel @p0 .LBB2_4-.Ltmp1, $4  }
0x3b: {  	s21 =	sadd.s32 $0x5000, s22;
	[sflag:s17] =	ssyncadd.s32 $0xFFFFC000  }
0x3c: {  	[spmem:s2] =	stream.indirect.scatter.add.f32 [tilespmem:s16], [sflag:$0x2], $0x80, s21, s15, $0xb8;
	[tilespmem:$0x1D400] =	vst v63  }
0x3d: {  	_ =	swait.ge [sflag:s12], $0x4000  }
0x3e: {  	s21 =	smov.u32 s23;
	[sflag:s12] =	ssyncset.done $0x0  }
0x3f: {  	s20 =	sshra.s32 s20, $0x2;
	[sflag:s12] =	ssyncadd.s32 $0xFFFFC000  }
0x40: {  	[tilespmem:s16], [sflag:$0x1] =	stream.indirect.gather [hbm4b:s4+s15], $0x80, s20, s15, $0xb8;
	[tilespmem:$0x1D400] =	vst v63  }
0x41: {  	_ =	swait.ge [sflag:s17], $0x4000  }
0x42: {  	[sflag:s17] =	ssyncset.done $0x0  }
0x43: {  	s20 =	sadd.s32 $0x5000, s20;
	[sflag:s17] =	ssyncadd.s32 $0xFFFFC000  }
0x44: {  	[spmem:s2] =	stream.indirect.scatter.add.f32 [tilespmem:s16], [sflag:$0x2], $0x80, s20, s15, $0xb8;
	[tilespmem:$0x1D400] =	vst v63  }
0x45: {  	_ =	swait.ge [sflag:s12], $0x4000  }
0x46: {  	[sflag:s12] =	ssyncset.done $0x0  }
0x47: {  	[sflag:s12] =	ssyncadd.s32 $0xFFFFC000  }
0x48: {  	[bflag:$0x0] =	sbarrier.arrive $0xFFFF  }
0x49: {  	[tilespmem:s18], [sflag:$0x2] =	stream.linear.gather [spmem:s7], $0x5000, $0x38;
	[tilespmem:$0x1D400] =	vst v63  }
0x4a: {  	_ =	swait.ge [sflag:s12], $0x5000  }
0x4b: {  	[sflag:s12] =	ssyncset.done $0x0  }
0x4c: {  	s29 =	simm.s32 $0x0;
	[sflag:s12] =	ssyncadd.s32 $0xFFFFB000  }
0x4d: {  	[hbm4b:s8+s29] =	stream.linear.scatter [tilespmem:s18], [sflag:$0x2], $0x5000, $0x38;
	[tilespmem:$0x1D400] =	vst v63  }
0x4e: {  	_ =	swait.ge [sflag:s12], $0x5000  }
0x4f: {  	[sflag:s12] =	ssyncset.done $0x0  }
0x50: {  	[sflag:s12] =	ssyncadd.s32 $0xFFFFB000  }
0x51: {  	[bflag:$0x0] =	sbarrier.arrive $0xFFFF  }
0x52: {  	[tilespmem:s13], [sflag:$0x2] =	stream.linear.gather [hbm4b:s9+s29], $0x5000, $0x38;
	[tilespmem:$0x1D400] =	vst v63  }
0x53: {  	_ =	swait.ge [sflag:s12], $0x5000  }
0x54: {  	[sflag:s12] =	ssyncset.done $0x0  }
0x55: {  	[sflag:s12] =	ssyncadd.s32 $0xFFFFB000  }
0x56: {  	[spmem:s7] =	stream.linear.scatter [tilespmem:s14], [sflag:$0x2], $0x5000, $0x38;
	[tilespmem:$0x1D400] =	vst v63  }
0x57: {  	_ =	swait.ge [sflag:s12], $0x5000  }
0x58: {  	[sflag:s12] =	ssyncset.done $0x0  }
0x59: {  	[sflag:s12] =	ssyncadd.s32 $0xFFFFB000  }
0x5a: {  	s30 =	simm.s32 $0x0;
	[bflag:$0x0] =	sbarrier.arrive $0xFFFF  }
0x5b: {  	[tilespmem:s16], [sflag:$0x1] =	stream.indirect.gather [hbm4b:s4+s15], $0x80, s30, s15, $0xb8;
	[tilespmem:$0x1D400] =	vst v63  }
0x5c: {  	_ =	swait.ge [sflag:s17], $0x4000  }
0x5d: {  	[sflag:s17] =	ssyncset.done $0x0  }
0x5e: {  	s31 =	simm.s32 $0x5000;
	[sflag:s17] =	ssyncadd.s32 $0xFFFFC000  }
0x5f: {  	[spmem:s2] =	stream.indirect.scatter.add.f32 [tilespmem:s16], [sflag:$0x2], $0x80, s31, s15, $0xb8;
	[tilespmem:$0x1D400] =	vst v63  }
0x60: {  	_ =	swait.ge [sflag:s12], $0x4000  }
0x61: {  	s21 =	simm.s32 $0x400;
	s20 =	simm.s32 $0x200;
	[sflag:s12] =	ssyncset.done $0x0  }
.LBB2_6:
0x62: {  	s22 =	sshra.s32 s20, $0x2  }
0x63: {  	[sflag:s12] =	ssyncadd.s32 $0xFFFFC000;
	s20 =	smov.u32 s21;
	s23 =	sadd.s32 $0x200, s21  }
0x64: {  	[tilespmem:s16], [sflag:$0x1] =	stream.indirect.gather [hbm4b:s4+s15], $0x80, s22, s15, $0xb8;
	[tilespmem:$0x1D400] =	vst v63  }
0x65: {  	p0 =	sne.s32 s21, $0x13E00;
	_ =	swait.ge [sflag:s17], $0x4000  }
.Ltmp2:
0x66: {  	[sflag:s17] =	ssyncset.done $0x0;
	(pc) =	sbr.rel @p0 .LBB2_6-.Ltmp2, $4  }
0x67: {  	s21 =	sadd.s32 $0x5000, s22;
	[sflag:s17] =	ssyncadd.s32 $0xFFFFC000  }
0x68: {  	[spmem:s2] =	stream.indirect.scatter.add.f32 [tilespmem:s16], [sflag:$0x2], $0x80, s21, s15, $0xb8;
	[tilespmem:$0x1D400] =	vst v63  }
0x69: {  	_ =	swait.ge [sflag:s12], $0x4000  }
0x6a: {  	s21 =	smov.u32 s23;
	[sflag:s12] =	ssyncset.done $0x0  }
0x6b: {  	s20 =	sshra.s32 s20, $0x2;
	[sflag:s12] =	ssyncadd.s32 $0xFFFFC000  }
0x6c: {  	[tilespmem:s16], [sflag:$0x1] =	stream.indirect.gather [hbm4b:s4+s15], $0x80, s20, s15, $0xb8;
	[tilespmem:$0x1D400] =	vst v63  }
0x6d: {  	_ =	swait.ge [sflag:s17], $0x4000  }
0x6e: {  	[sflag:s17] =	ssyncset.done $0x0  }
0x6f: {  	s20 =	sadd.s32 $0x5000, s20;
	[sflag:s17] =	ssyncadd.s32 $0xFFFFC000  }
0x70: {  	[spmem:s2] =	stream.indirect.scatter.add.f32 [tilespmem:s16], [sflag:$0x2], $0x80, s20, s15, $0xb8;
	[tilespmem:$0x1D400] =	vst v63  }
0x71: {  	_ =	swait.ge [sflag:s12], $0x4000  }
0x72: {  	[sflag:s12] =	ssyncset.done $0x0  }
0x73: {  	[sflag:s12] =	ssyncadd.s32 $0xFFFFC000  }
0x74: {  	[bflag:$0x0] =	sbarrier.arrive $0xFFFF  }
0x75: {  	[tilespmem:s18], [sflag:$0x2] =	stream.linear.gather [spmem:s7], $0x5000, $0x38;
	[tilespmem:$0x1D400] =	vst v63  }
0x76: {  	_ =	swait.ge [sflag:s12], $0x5000  }
0x77: {  	s19 =	sadd.s32 $0x1, s19;
	[sflag:s12] =	ssyncset.done $0x0  }
0x78: {  	p0 =	sne.s32 s19, s11;
	[sflag:s12] =	ssyncadd.s32 $0xFFFFB000  }
0x79: {  	[hbm4b:s10+s3] =	stream.linear.scatter [tilespmem:s18], [sflag:$0x2], $0x5000, $0x38;
	[tilespmem:$0x1D400] =	vst v63  }
.Ltmp3:
0x7a: {  	_ =	swait.ge [sflag:s12], $0x5000;
	(pc) =	sbr.rel @p0 .LBB2_1-.Ltmp3, $3  }
0x7b: {  	[sflag:s12] =	ssyncset.done $0x0  }
0x7c: {  	[sflag:s12] =	ssyncadd.s32 $0xFFFFB000  }
0x7d: {  	[bflag:$0x0] =	sbarrier.arrive $0xFFFF;
	_ =	sdelay $0x1  }
0x7e: {  	_ =	sfence.sel $0x180000  }
0x7f: {  	[bflag:$0x0] =	sbarrier.arrive $0xFFFF  }
0x80: {  	p0 =	sne.s32 s1, $0x0;
	_ =	strace $0x9000004A  }
0x81: {  	s0 =	sadd.s32 @!p0 $0x100000, s0;
	[bflag:$0x2] =	sbarrier.arrive $0xFFFF  }
0x82: {  	[sflag:s0] =	ssyncadd.tile.s32 @!p0 $0x1;
	_ =	shalt  }
.Lfunc_end2:
_tile_overlayer_lowered:
.L_overlay_start_2:
0x83: {  	(tag) =	ssettag $0x2  }
0x84: {  	s0 =	rddreg [dreg:$0x0];
	s2 =	stileid.u32  }
0x85: {  	s1 =	rddreg [dreg:$0x1];
	p0 =	sne.s32 s2, $0x0  }
0x86: {  	s3 =	rddreg [dreg:$0x2];
	[bflag:$0x3] =	sbarrier.arrive $0xFFFF;
	s2 =	simm.s32 @!p0 $0x1C02  }
0x87: {  	[timem:s3], [sflag:s2] =	dma.local @!p0 [hbm:s0], s1  }
0x88: {  	s0 =	simm.s32 @!p0 $0x2  }
0x89: {  	_ =	swait.ge @!p0 [sflag:s0], s1  }
0x8a: {  	s1 =	ssub.s32 @!p0 $0x0, s1;
	[sflag:s0] =	ssyncset.done @!p0 $0x0  }
0x8b: {  	[sflag:s0] =	ssyncadd.s32 @!p0 s1  }
0x8c: {  	[bflag:$0x3] =	sbarrier.arrive $0xFFFF  }
0x8d: {  	_ =	shalt  }

// kernel: kernel.16.cloned.1.call-start
scs
__scs_entry_jumppad:
0x0: {  	(pc) =	sbr.rel $0x88, $3  }
0x1: {  	(tag) =	ssettag $0x0;
	lr =	simm.s32 $0x1  }
0x2: {  	[smem:$0x3F99] =	sst lr;
	_ =	strace $0xD0000000  }
0x3: {  	_ = 	snop  }
0x4: {  	_ = 	snop  }
0x5: {  	_ = 	snop  }
0x6: {  	_ = 	snop  }
0x7: {  	_ = 	snop  }
__scs_overlays_trampoline_lowered:
0x8: {  	[smem:$0x3FA8] =	sst s0  }
0x9: {  	[smem:$0x3FA9] =	sst s1  }
0xa: {  	[smem:$0x3FAA] =	sst s2  }
0xb: {  	[smem:$0x3FAB] =	sst s3  }
0xc: {  	[smem:$0x3FAC] =	sst s4  }
0xd: {  	[smem:$0x3FAD] =	sst s5  }
0xe: {  	[smem:$0x3FAE] =	sst s6  }
0xf: {  	[smem:$0x3FAF] =	sst s7  }
0x10: {  	[smem:$0x3FB0] =	sst s8  }
0x11: {  	[smem:$0x3FB1] =	sst s9;
	s0 =	simm.s32 @!p0 $0x0  }
0x12: {  	s1 =	sld [smem:$0x3F97];
	s0 =	simm.s32 @p0 $0x1  }
0x13: {  	[smem:$0x3FB2] =	sst s0;
	s0 =	simm.s32 @!p1 $0x0  }
0x14: {  	s2 =	sld [smem:$0x3F96];
	s0 =	simm.s32 @p1 $0x1  }
0x15: {  	[smem:$0x3FB3] =	sst s0;
	s0 =	simm.s32 @!p2 $0x0  }
0x16: {  	s3 =	sld [smem:$0x3FDB];
	s0 =	simm.s32 @p2 $0x1  }
0x17: {  	s4 =	simm.s32 $0x1BF5;
	[smem:$0x3FB5] =	sst s0  }
0x18: {  	s0 =	sld [smem:$0x3F98];
	_ =	swait.ge [sflag:s4], $0x0  }
0x19: {  	s7 =	sld [smem:$0x3F99]  }
0x1a: {  	s8 =	sadd.s32 $0xFFFFE003, lr  }
0x1b: {  	s9 =	sadd.s32 $0xFFFFFEF7, lr;
	s5 =	simm.s32 $0xFFFFFFFF;
	p2 =	slt.u32 s8, $0xFFFFF086  }
0x1c: {  	p1 =	slt.u32 s9, $0xF7A;
	s5 =	simm.s32 @!p2 $0x0  }
0x1d: {  	s5 =	simm.s32 @p1 $0x1;
	p0 =	seq.s32 s7, s2  }
0x1e: {  	s7 =	smul.u32 @!p0 $0xF7A, s2;
	p2 =	seq.s32 @!p0 s5, $0x0  }
0x1f: {  	s9 =	smul.u32 $0xF7A, s1;
	s8 =	simm.s32 @!p0 $0x1BF5;
	p2 =	por !p2, p0  }
0x20: {  	[sflag:s8] =	ssyncset.s32 @!p0 $0xFFFFF086;
	s6 =	sadd.s32 @!p0 s3, s7;
	s7 =	simm.s32 @!p0 $0x108  }
0x21: {  	s3 =	sadd.s32 s3, s9;
	s6 =	sadd.s32 @!p0 $0x88, s6;
	s7 =	simm.s32 @p2 $0x1082  }
0x22: {  	[simem:s7], [sflag:s8] =	dma.local @!p0 [hbm:s6], $0xF7A  }
0x23: {  	s9 =	sor.u32 $0xD0000000, s2;
	s6 =	simm.s32 $0x108;
	_ =	swait.ge @!p0 [sflag:s8], $0x0  }
0x24: {  	s3 =	sadd.s32 $0x88, s3;
	s6 =	simm.s32 @!p1 $0x1082;
	[sflag:s4] =	ssyncset.s32 $0xFFFFF086  }
0x25: {  	[simem:s6], [sflag:s4] =	dma.local [hbm:s3], $0xF7A  }
0x26: {  	[smem:$0x3F99] =	sst s1;
	(tag) =	ssettag s2;
	_ =	strace s9  }
0x27: {  	s1 =	sld [smem:$0x3FA9]  }
0x28: {  	s2 =	sld [smem:$0x3FAA]  }
0x29: {  	s4 =	sld [smem:$0x3FAC]  }
0x2a: {  	p0 =	seq.s32 s5, $0x0;
	s5 =	sld [smem:$0x3FAD]  }
0x2b: {  	s6 =	sld [smem:$0x3FAE]  }
0x2c: {  	s7 =	sld [smem:$0x3FAF]  }
0x2d: {  	s3 =	simm.s32 $0x108;
	s8 =	sld [smem:$0x3FB0]  }
0x2e: {  	s3 =	simm.s32 @!p0 $0x1082;
	s9 =	sld [smem:$0x3FB1]  }
0x2f: {  	lr =	sadd.s32 s0, s3;
	s0 =	sld [smem:$0x3FA8]  }
0x30: {  	s3 =	sld [smem:$0x3FAB]  }
0x31: {  	[smem:$0x3FB4] =	sst s10  }
0x32: {  	s10 =	sld [smem:$0x3FB2];
	_ =	sdelay $0x3  }
0x33: {  	p0 =	seq.s32 s10, $0x1;
	s10 =	sld [smem:$0x3FB4];
	_ =	sdelay $0x3  }
0x34: {  	[smem:$0x3FB4] =	sst s10  }
0x35: {  	s10 =	sld [smem:$0x3FB3];
	_ =	sdelay $0x3  }
0x36: {  	p1 =	seq.s32 s10, $0x1;
	s10 =	sld [smem:$0x3FB4];
	_ =	sdelay $0x3  }
0x37: {  	[smem:$0x3FB4] =	sst s10  }
0x38: {  	s10 =	sld [smem:$0x3FB5]  }
0x39: {  	_ = 	snop;
	(pc) =	sbr.ind lr, $3  }
0x3a: {  	_ = 	snop  }
0x3b: {  	_ = 	snop  }
0x3c: {  	p2 =	seq.s32 s10, $0x1;
	s10 =	sld [smem:$0x3FB4]  }
0x3d: {  	_ =	shalt  }
0x3e: {  	_ =	shalt  }
0x3f: {  	_ =	shalt  }
0x40: {  	_ =	shalt  }
0x41: {  	_ =	shalt  }
0x42: {  	_ =	shalt  }
0x43: {  	_ =	shalt  }
0x44: {  	_ =	shalt  }
0x45: {  	_ =	shalt  }
0x46: {  	_ =	shalt  }
0x47: {  	_ =	shalt  }
0x48: {  	_ =	shalt  }
0x49: {  	_ =	shalt  }
0x4a: {  	_ =	shalt  }
0x4b: {  	_ =	shalt  }
0x4c: {  	_ =	shalt  }
0x4d: {  	_ =	shalt  }
0x4e: {  	_ =	shalt  }
0x4f: {  	_ =	shalt  }
0x50: {  	_ =	shalt  }
0x51: {  	_ =	shalt  }
0x52: {  	_ =	shalt  }
0x53: {  	_ =	shalt  }
0x54: {  	_ =	shalt  }
0x55: {  	_ =	shalt  }
0x56: {  	_ =	shalt  }
0x57: {  	_ =	shalt  }
0x58: {  	_ =	shalt  }
0x59: {  	_ =	shalt  }
0x5a: {  	_ =	shalt  }
0x5b: {  	_ =	shalt  }
0x5c: {  	_ =	shalt  }
0x5d: {  	_ =	shalt  }
0x5e: {  	_ =	shalt  }
0x5f: {  	_ =	shalt  }
0x60: {  	_ =	shalt  }
0x61: {  	_ =	shalt  }
0x62: {  	_ =	shalt  }
0x63: {  	_ =	shalt  }
0x64: {  	_ =	shalt  }
0x65: {  	_ =	shalt  }
0x66: {  	_ =	shalt  }
0x67: {  	_ =	shalt  }
0x68: {  	_ =	shalt  }
0x69: {  	_ =	shalt  }
0x6a: {  	_ =	shalt  }
0x6b: {  	_ =	shalt  }
0x6c: {  	_ =	shalt  }
0x6d: {  	_ =	shalt  }
0x6e: {  	_ =	shalt  }
0x6f: {  	_ =	shalt  }
0x70: {  	_ =	shalt  }
0x71: {  	_ =	shalt  }
0x72: {  	_ =	shalt  }
0x73: {  	_ =	shalt  }
0x74: {  	_ =	shalt  }
0x75: {  	_ =	shalt  }
0x76: {  	_ =	shalt  }
0x77: {  	_ =	shalt  }
0x78: {  	_ =	shalt  }
0x79: {  	_ =	shalt  }
0x7a: {  	_ =	shalt  }
0x7b: {  	_ =	shalt  }
0x7c: {  	_ =	shalt  }
0x7d: {  	_ =	shalt  }
0x7e: {  	_ =	shalt  }
0x7f: {  	_ =	shalt  }
0x80: {  	_ =	shalt  }
0x81: {  	_ =	shalt  }
0x82: {  	_ =	shalt  }
0x83: {  	_ =	shalt  }
0x84: {  	_ =	shalt  }
0x85: {  	_ =	shalt  }
0x86: {  	_ =	shalt  }
0x87: {  	_ =	shalt  }
.Lfunc_end0:
.L_simem_size_0:
called_computation.2_lowered:
.L_overlay_start_0:
0x88: {  	s2 =	sld [smem:$0x3FD9]  }
0x89: {  	s3 =	sld [smem:$0x3FFE];
	_ =	sdelay $0x1  }
0x8a: {  	s1 =	srdreg.scid  }
0x8b: {  	s0 =	sand.u32 $0x1, s1  }
0x8c: {  	s16 =	sshll.u32 s0, $0xA;
	s2 =	sadd.s32 s3, s2  }
0x8d: {  	s2 =	sadd.s32 s2, s16  }
0x8e: {  	[smem:$0x3FC0] =	sst s2  }
0x8f: {  	_ = 	snop  }
0x90: {  	(tm) =	ssettm $0x1  }
0x91: {  	s17 =	sld [smem:$0x3FFB];
	_ =	sdelay $0x3  }
0x92: {  	_ =	strace s17  }
0x93: {  	s2 =	sld [smem:$0x3FFC];
	_ =	sdelay $0x3  }
0x94: {  	_ =	strace s2  }
0x95: {  	s2 =	sld [smem:$0x3FFD];
	_ =	sdelay $0x3  }
0x96: {  	_ =	strace s2  }
0x97: {  	_ =	strace $0x8FFFFFFF  }
0x98: {  	s18 =	sld [smem:$0x3FDB];
	_ =	sdelay $0x1  }
0x99: {  	s19 =	simm.s32 $_scs_section_size  }
0x9a: {  	s4 =	simm.s32 $_size__tile_overlayer_lowered;
	s5 =	simm.s32 $_tile_overlayer_lowered  }
0x9b: {  	s22 =	simm.s32 $0x1BFF;
	s21 =	sshll.u32 s5, $0x1;
	s2 =	sadd.s32 s19, s18  }
0x9c: {  	s6 =	simm.s32 $0x0;
	s20 =	sshll.u32 s4, $0x1;
	s4 =	sadd.s32 s21, s2  }
0x9d: {  	[timem:s6], [sflag:s22] =	dma.local [hbm:s4], s20  }
0x9e: {  	_ =	swait.ge [sflag:s22], s20  }
0x9f: {  	s3 =	ssub.s32 $0x0, s20;
	[sflag:s22] =	ssyncset.done $0x0  }
0xa0: {  	[sflag:s22] =	ssyncadd.s32 s3;
	_ =	sdelay $0x1  }
0xa1: {  	s23 =	simm.s32 $0x1B8B  }
0xa2: {  	_ =	swait.ge [sflag:s23], $0x1  }
0xa3: {  	[sflag:s23] =	ssyncset.done $0x0  }
0xa4: {  	s25 =	simm.s32 $0x1B8E;
	s24 =	sld [smem:$0x3FFE];
	[sflag:s23] =	ssyncadd.s32 $0xFFFFFFFF  }
0xa5: {  	s26 =	simm.s32 $execute0_lowered;
	[smem:$0x3FD2] =	sst s25  }
0xa6: {  	s4 =	sshll.u32 s26, $0x1;
	_ =	strace $0x8000004C;
	[dreg:$0x1] =	wrdreg $0xFFFFFFFF  }
0xa7: {  	s28 =	simm.s32 $_size_execute0_lowered;
	s2 =	sadd.s32 s2, s4;
	[dreg:$0x0] =	wrdreg $0x0  }
0xa8: {  	s4 =	sshll.u32 s28, $0x1;
	[dreg:$0x2] =	wrdreg s2  }
0xa9: {  	[dreg:$0x3] =	wrdreg s4  }
0xaa: {  	[dreg:$0x4] =	wrdreg $0xC0  }
0xab: {  	_ =	task [dreg:s6], $0x5FFFF  }
0xac: {  	[dreg:$0x1] =	wrdreg $0xFFFFFFFF  }
0xad: {  	[dreg:$0x0] =	wrdreg $0x60  }
0xae: {  	[dreg:$0x2] =	wrdreg s24  }
0xaf: {  	[dreg:$0x3] =	wrdreg $0x180000  }
0xb0: {  	[dreg:$0x4] =	wrdreg $0x9  }
0xb1: {  	_ =	task.clear_ibuf [dreg:s6], $0x5FFFF;
	_ =	strace $0x9000004C  }
0xb2: {  	s29 =	simm.s32 $0x9;
	_ =	strace $0x8000004E  }
0xb3: {  	_ =	swait.ge [sflag:s29], $0x1  }
0xb4: {  	[sflag:s29] =	ssyncadd.s32 $0xFFFFFFFF  }
0xb5: {  	_ =	strace $0x9000004E  }
0xb6: {  	_ =	sfence  }
0xb7: {  	s30 =	sld [smem:$0x0];
	_ =	sdelay $0x2  }
0xb8: {  	s31 =	sshll.u32 s1, $0xD;
	s1 =	sshrl.u32 s1, $0x2  }
0xb9: {  	s3 =	sand.u32 $0x4000, s31;
	s1 =	sadd.s32 s1, s30  }
0xba: {  	s0 =	sor.u32 s3, s0;
	s1 =	sshll.u32 s1, $0x11  }
0xbb: {  	s0 =	sor.u32 s1, s0  }
0xbc: {  	s0 =	sadd.s32 $0x8F2B, s0  }
0xbd: {  	[sflag:s0] =	ssyncadd.remote.s32 $0x1  }
0xbe: {  	_ =	sfence.sel $0xFFFF  }
0xbf: {  	[dreg:$0x0] =	wrdreg $0xFFFFFFFF;
	(pc) =	sbr.abs _section_cstart, $3  }
0xc0: {  	[dreg:$0x1] =	wrdreg $0xFFFFFFFF  }
0xc1: {  	_ =	task.clear_ibuf [dreg:s6], $0x2FFFF;
	_ =	strace $0x9FFFFFFF  }
0xc2: {  	(tm) =	ssettm $0x7FFFFFFF  }
0xc3: {  	_ =	shalt  }
tec
execute0_lowered:
.L_overlay_start_1:
0x0: {  	(tag) =	ssettag $0x1  }
0x1: {  	s5 =	rddreg [dreg:$0x0]  }
0x2: {  	s2 =	rddreg [dreg:$0x1]  }
0x3: {  	s0 =	rddreg [dreg:$0x2]  }
0x4: {  	s1 =	stileid.u32;
	s4 =	srdreg.scid;
	s3 =	simm.s32 $0x0  }
0x5: {  	s14 =	simm.s32 $0xE000;
	s15 =	simm.s32 $0x80;
	s6 =	smul.u32 $0x5000, s1  }
0x6: {  	s16 =	simm.s32 $0xA000;
	s17 =	simm.s32 $0x1;
	s8 =	smul.u32 $0xA0, s1  }
0x7: {  	s18 =	simm.s32 $0x13000;
	s7 =	sand.u32 $0x1, s4;
	s28 =	smul.u32 $0x14000, s1  }
0x8: {  	s19 =	simm.s32 $0x0;
	[smem:$0x7FF] =	sst s3;
	s4 =	smul.u32 $0x50000, s7  }
0x9: {  	_ =	strace $0x8000004D;
	s10 =	smul.u32 $0xA00, s7;
	s7 =	ssub.s32 $0x2, s7  }
0xa: {  	s9 =	sshrl.u32 s6, $0x3;
	s30 =	sshrl.u32 s7, $0x1;
	s31 =	sshrl.u32 s28, $0x2  }
0xb: {  	s6 =	sadd.s32 s6, s4;
	s4 =	sadd.s32 $0x36600, s5;
	s9 =	sadd.s32 s9, s5  }
0xc: {  	s8 =	sadd.s32 s8, s10;
	s13 =	ssub.s32 s7, s30;
	s6 =	sshrl.u32 s6, $0x3  }
0xd: {  	s7 =	sadd.s32 s31, s2;
	s29 =	sshll.u32 s8, $0x4;
	s11 =	sadd.s32 s6, s5  }
0xe: {  	s12 =	sadd.s32 s29, s5;
	s5 =	sadd.s32 $0x4600, s9;
	s6 =	sadd.s32 $0xE600, s11  }
0xf: {  	s8 =	sadd.s32 $0x5E600, s12;
	s9 =	sadd.s32 $0x22600, s11;
	s10 =	sadd.s32 $0x72600, s12  }
0x10: {  	v0 =	vimm.f32 $0.0e+00;
	s11 =	smax.u32 s13, $0x1;
	s12 =	simm.s32 $0x2;
	s13 =	simm.s32 $0x5000  }
.LBB2_1:
0x11: {  	s20 =	simm.s32 $0x70;
	s21 =	simm.s32 $0x3C0  }
.LBB2_2:
0x12: {  	p0 =	sne.s32 s21, $0x13FC0;
	[tilespmem:s20+$0xE000] =	vst v0  }
0x13: {  	[tilespmem:s20+$0xDF90] =	vst v0  }
0x14: {  	[tilespmem:s20+$0xDFA0] =	vst v0  }
.Ltmp0:
0x15: {  	[tilespmem:s20+$0xDFB0] =	vst v0;
	(pc) =	sbr.rel @p0 .LBB2_2-.Ltmp0, $4  }
0x16: {  	[tilespmem:s20+$0xDFC0] =	vst v0  }
0x17: {  	[tilespmem:s20+$0xDFD0] =	vst v0  }
0x18: {  	[tilespmem:s20+$0xDFE0] =	vst v0  }
0x19: {  	[tilespmem:s20+$0xDFF0] =	vst v0;
	s20 =	sshra.s32 s21, $0x2;
	s21 =	sadd.s32 $0x200, s21  }
0x1a: {  	[tilespmem:s20+$0xE000] =	vst v0  }
0x1b: {  	[tilespmem:s20+$0xDF90] =	vst v0  }
0x1c: {  	[tilespmem:s20+$0xDFA0] =	vst v0  }
0x1d: {  	[tilespmem:s20+$0xDFB0] =	vst v0  }
0x1e: {  	[tilespmem:s20+$0xDFC0] =	vst v0  }
0x1f: {  	[tilespmem:s20+$0xDFD0] =	vst v0  }
0x20: {  	[tilespmem:s20+$0xDFE0] =	vst v0  }
0x21: {  	[tilespmem:s20+$0xDFF0] =	vst v0;
	s29 =	simm.s32 $0x0  }
0x22: {  	[tilespmem:s29], [sflag:$0x2] =	stream.linear.gather [hbm4b:s5+s29], $0x5000, $0x38;
	[tilespmem:$0x1D400] =	vst v63  }
0x23: {  	_ =	swait.ge [sflag:s12], $0x5000  }
0x24: {  	[sflag:s12] =	ssyncset.done $0x0  }
0x25: {  	[sflag:s12] =	ssyncadd.s32 $0xFFFFB000  }
0x26: {  	[tilespmem:s13], [sflag:$0x2] =	stream.linear.gather [hbm4b:s6+s29], $0x5000, $0x38;
	[tilespmem:$0x1D400] =	vst v63  }
0x27: {  	_ =	swait.ge [sflag:s12], $0x5000  }
0x28: {  	[sflag:s12] =	ssyncset.done $0x0  }
0x29: {  	[sflag:s12] =	ssyncadd.s32 $0xFFFFB000  }
0x2a: {  	[spmem:s7] =	stream.linear.scatter [tilespmem:s14], [sflag:$0x2], $0x5000, $0x38;
	[tilespmem:$0x1D400] =	vst v63  }
0x2b: {  	_ =	swait.ge [sflag:s12], $0x5000  }
0x2c: {  	[sflag:s12] =	ssyncset.done $0x0  }
0x2d: {  	[sflag:s12] =	ssyncadd.s32 $0xFFFFB000  }
0x2e: {  	s30 =	simm.s32 $0x0;
	[bflag:$0x0] =	sbarrier.arrive $0xFFFF  }
0x2f: {  	[tilespmem:s16], [sflag:$0x1] =	stream.indirect.gather [hbm4b:s4+s15], $0x80, s30, s15, $0xb8;
	[tilespmem:$0x1D400] =	vst v63  }
0x30: {  	_ =	swait.ge [sflag:s17], $0x4000  }
0x31: {  	[sflag:s17] =	ssyncset.done $0x0  }
0x32: {  	s31 =	simm.s32 $0x5000;
	[sflag:s17] =	ssyncadd.s32 $0xFFFFC000  }
0x33: {  	[spmem:s2] =	stream.indirect.scatter.add.f32 [tilespmem:s16], [sflag:$0x2], $0x80, s31, s15, $0xb8;
	[tilespmem:$0x1D400] =	vst v63  }
0x34: {  	_ =	swait.ge [sflag:s12], $0x4000  }
0x35: {  	s20 =	simm.s32 $0x200;
	s21 =	simm.s32 $0x400;
	[sflag:s12] =	ssyncset.done $0x0  }
.LBB2_4:
0x36: {  	s22 =	sshra.s32 s20, $0x2  }
0x37: {  	[sflag:s12] =	ssyncadd.s32 $0xFFFFC000;
	s20 =	smov.u32 s21;
	s23 =	sadd.s32 $0x200, s21  }
0x38: {  	[tilespmem:s16], [sflag:$0x1] =	stream.indirect.gather [hbm4b:s4+s15], $0x80, s22, s15, $0xb8;
	[tilespmem:$0x1D400] =	vst v63  }
0x39: {  	p0 =	sne.s32 s21, $0x13E00;
	_ =	swait.ge [sflag:s17], $0x4000  }
.Ltmp1:
0x3a: {  	[sflag:s17] =	ssyncset.done $0x0;
	(pc) =	sbr.rel @p0 .LBB2_4-.Ltmp1, $4  }
0x3b: {  	s21 =	sadd.s32 $0x5000, s22;
	[sflag:s17] =	ssyncadd.s32 $0xFFFFC000  }
0x3c: {  	[spmem:s2] =	stream.indirect.scatter.add.f32 [tilespmem:s16], [sflag:$0x2], $0x80, s21, s15, $0xb8;
	[tilespmem:$0x1D400] =	vst v63  }
0x3d: {  	_ =	swait.ge [sflag:s12], $0x4000  }
0x3e: {  	s21 =	smov.u32 s23;
	[sflag:s12] =	ssyncset.done $0x0  }
0x3f: {  	s20 =	sshra.s32 s20, $0x2;
	[sflag:s12] =	ssyncadd.s32 $0xFFFFC000  }
0x40: {  	[tilespmem:s16], [sflag:$0x1] =	stream.indirect.gather [hbm4b:s4+s15], $0x80, s20, s15, $0xb8;
	[tilespmem:$0x1D400] =	vst v63  }
0x41: {  	_ =	swait.ge [sflag:s17], $0x4000  }
0x42: {  	[sflag:s17] =	ssyncset.done $0x0  }
0x43: {  	s20 =	sadd.s32 $0x5000, s20;
	[sflag:s17] =	ssyncadd.s32 $0xFFFFC000  }
0x44: {  	[spmem:s2] =	stream.indirect.scatter.add.f32 [tilespmem:s16], [sflag:$0x2], $0x80, s20, s15, $0xb8;
	[tilespmem:$0x1D400] =	vst v63  }
0x45: {  	_ =	swait.ge [sflag:s12], $0x4000  }
0x46: {  	[sflag:s12] =	ssyncset.done $0x0  }
0x47: {  	[sflag:s12] =	ssyncadd.s32 $0xFFFFC000  }
0x48: {  	[bflag:$0x0] =	sbarrier.arrive $0xFFFF  }
0x49: {  	[tilespmem:s18], [sflag:$0x2] =	stream.linear.gather [spmem:s7], $0x5000, $0x38;
	[tilespmem:$0x1D400] =	vst v63  }
0x4a: {  	_ =	swait.ge [sflag:s12], $0x5000  }
0x4b: {  	[sflag:s12] =	ssyncset.done $0x0  }
0x4c: {  	s29 =	simm.s32 $0x0;
	[sflag:s12] =	ssyncadd.s32 $0xFFFFB000  }
0x4d: {  	[hbm4b:s8+s29] =	stream.linear.scatter [tilespmem:s18], [sflag:$0x2], $0x5000, $0x38;
	[tilespmem:$0x1D400] =	vst v63  }
0x4e: {  	_ =	swait.ge [sflag:s12], $0x5000  }
0x4f: {  	[sflag:s12] =	ssyncset.done $0x0  }
0x50: {  	[sflag:s12] =	ssyncadd.s32 $0xFFFFB000  }
0x51: {  	[bflag:$0x0] =	sbarrier.arrive $0xFFFF  }
0x52: {  	[tilespmem:s13], [sflag:$0x2] =	stream.linear.gather [hbm4b:s9+s29], $0x5000, $0x38;
	[tilespmem:$0x1D400] =	vst v63  }
0x53: {  	_ =	swait.ge [sflag:s12], $0x5000  }
0x54: {  	[sflag:s12] =	ssyncset.done $0x0  }
0x55: {  	[sflag:s12] =	ssyncadd.s32 $0xFFFFB000  }
0x56: {  	[spmem:s7] =	stream.linear.scatter [tilespmem:s14], [sflag:$0x2], $0x5000, $0x38;
	[tilespmem:$0x1D400] =	vst v63  }
0x57: {  	_ =	swait.ge [sflag:s12], $0x5000  }
0x58: {  	[sflag:s12] =	ssyncset.done $0x0  }
0x59: {  	[sflag:s12] =	ssyncadd.s32 $0xFFFFB000  }
0x5a: {  	s30 =	simm.s32 $0x0;
	[bflag:$0x0] =	sbarrier.arrive $0xFFFF  }
0x5b: {  	[tilespmem:s16], [sflag:$0x1] =	stream.indirect.gather [hbm4b:s4+s15], $0x80, s30, s15, $0xb8;
	[tilespmem:$0x1D400] =	vst v63  }
0x5c: {  	_ =	swait.ge [sflag:s17], $0x4000  }
0x5d: {  	[sflag:s17] =	ssyncset.done $0x0  }
0x5e: {  	s31 =	simm.s32 $0x5000;
	[sflag:s17] =	ssyncadd.s32 $0xFFFFC000  }
0x5f: {  	[spmem:s2] =	stream.indirect.scatter.add.f32 [tilespmem:s16], [sflag:$0x2], $0x80, s31, s15, $0xb8;
	[tilespmem:$0x1D400] =	vst v63  }
0x60: {  	_ =	swait.ge [sflag:s12], $0x4000  }
0x61: {  	s21 =	simm.s32 $0x400;
	s20 =	simm.s32 $0x200;
	[sflag:s12] =	ssyncset.done $0x0  }
.LBB2_6:
0x62: {  	s22 =	sshra.s32 s20, $0x2  }
0x63: {  	[sflag:s12] =	ssyncadd.s32 $0xFFFFC000;
	s20 =	smov.u32 s21;
	s23 =	sadd.s32 $0x200, s21  }
0x64: {  	[tilespmem:s16], [sflag:$0x1] =	stream.indirect.gather [hbm4b:s4+s15], $0x80, s22, s15, $0xb8;
	[tilespmem:$0x1D400] =	vst v63  }
0x65: {  	p0 =	sne.s32 s21, $0x13E00;
	_ =	swait.ge [sflag:s17], $0x4000  }
.Ltmp2:
0x66: {  	[sflag:s17] =	ssyncset.done $0x0;
	(pc) =	sbr.rel @p0 .LBB2_6-.Ltmp2, $4  }
0x67: {  	s21 =	sadd.s32 $0x5000, s22;
	[sflag:s17] =	ssyncadd.s32 $0xFFFFC000  }
0x68: {  	[spmem:s2] =	stream.indirect.scatter.add.f32 [tilespmem:s16], [sflag:$0x2], $0x80, s21, s15, $0xb8;
	[tilespmem:$0x1D400] =	vst v63  }
0x69: {  	_ =	swait.ge [sflag:s12], $0x4000  }
0x6a: {  	s21 =	smov.u32 s23;
	[sflag:s12] =	ssyncset.done $0x0  }
0x6b: {  	s20 =	sshra.s32 s20, $0x2;
	[sflag:s12] =	ssyncadd.s32 $0xFFFFC000  }
0x6c: {  	[tilespmem:s16], [sflag:$0x1] =	stream.indirect.gather [hbm4b:s4+s15], $0x80, s20, s15, $0xb8;
	[tilespmem:$0x1D400] =	vst v63  }
0x6d: {  	_ =	swait.ge [sflag:s17], $0x4000  }
0x6e: {  	[sflag:s17] =	ssyncset.done $0x0  }
0x6f: {  	s20 =	sadd.s32 $0x5000, s20;
	[sflag:s17] =	ssyncadd.s32 $0xFFFFC000  }
0x70: {  	[spmem:s2] =	stream.indirect.scatter.add.f32 [tilespmem:s16], [sflag:$0x2], $0x80, s20, s15, $0xb8;
	[tilespmem:$0x1D400] =	vst v63  }
0x71: {  	_ =	swait.ge [sflag:s12], $0x4000  }
0x72: {  	[sflag:s12] =	ssyncset.done $0x0  }
0x73: {  	[sflag:s12] =	ssyncadd.s32 $0xFFFFC000  }
0x74: {  	[bflag:$0x0] =	sbarrier.arrive $0xFFFF  }
0x75: {  	[tilespmem:s18], [sflag:$0x2] =	stream.linear.gather [spmem:s7], $0x5000, $0x38;
	[tilespmem:$0x1D400] =	vst v63  }
0x76: {  	_ =	swait.ge [sflag:s12], $0x5000  }
0x77: {  	s19 =	sadd.s32 $0x1, s19;
	[sflag:s12] =	ssyncset.done $0x0  }
0x78: {  	p0 =	sne.s32 s19, s11;
	[sflag:s12] =	ssyncadd.s32 $0xFFFFB000  }
0x79: {  	[hbm4b:s10+s3] =	stream.linear.scatter [tilespmem:s18], [sflag:$0x2], $0x5000, $0x38;
	[tilespmem:$0x1D400] =	vst v63  }
.Ltmp3:
0x7a: {  	_ =	swait.ge [sflag:s12], $0x5000;
	(pc) =	sbr.rel @p0 .LBB2_1-.Ltmp3, $3  }
0x7b: {  	[sflag:s12] =	ssyncset.done $0x0  }
0x7c: {  	[sflag:s12] =	ssyncadd.s32 $0xFFFFB000  }
0x7d: {  	[bflag:$0x0] =	sbarrier.arrive $0xFFFF;
	_ =	sdelay $0x1  }
0x7e: {  	_ =	sfence.sel $0x180000  }
0x7f: {  	[bflag:$0x0] =	sbarrier.arrive $0xFFFF  }
0x80: {  	p0 =	sne.s32 s1, $0x0;
	_ =	strace $0x9000004D  }
0x81: {  	s0 =	sadd.s32 @!p0 $0x100000, s0;
	[bflag:$0x2] =	sbarrier.arrive $0xFFFF  }
0x82: {  	[sflag:s0] =	ssyncadd.tile.s32 @!p0 $0x1;
	_ =	shalt  }
.Lfunc_end2:
_tile_overlayer_lowered:
.L_overlay_start_2:
0x83: {  	(tag) =	ssettag $0x2  }
0x84: {  	s0 =	rddreg [dreg:$0x0];
	s2 =	stileid.u32  }
0x85: {  	s1 =	rddreg [dreg:$0x1];
	p0 =	sne.s32 s2, $0x0  }
0x86: {  	s3 =	rddreg [dreg:$0x2];
	[bflag:$0x3] =	sbarrier.arrive $0xFFFF;
	s2 =	simm.s32 @!p0 $0x1C02  }
0x87: {  	[timem:s3], [sflag:s2] =	dma.local @!p0 [hbm:s0], s1  }
0x88: {  	s0 =	simm.s32 @!p0 $0x2  }
0x89: {  	_ =	swait.ge @!p0 [sflag:s0], s1  }
0x8a: {  	s1 =	ssub.s32 @!p0 $0x0, s1;
	[sflag:s0] =	ssyncset.done @!p0 $0x0  }
0x8b: {  	[sflag:s0] =	ssyncadd.s32 @!p0 s1  }
0x8c: {  	[bflag:$0x3] =	sbarrier.arrive $0xFFFF  }
0x8d: {  	_ =	shalt  }

// kernel: kernel.19.cloned.1.call-start
scs
__scs_entry_jumppad:
0x0: {  	(pc) =	sbr.rel $0x88, $3  }
0x1: {  	(tag) =	ssettag $0x0;
	lr =	simm.s32 $0x1  }
0x2: {  	[smem:$0x3F99] =	sst lr;
	_ =	strace $0xD0000000  }
0x3: {  	_ = 	snop  }
0x4: {  	_ = 	snop  }
0x5: {  	_ = 	snop  }
0x6: {  	_ = 	snop  }
0x7: {  	_ = 	snop  }
__scs_overlays_trampoline_lowered:
0x8: {  	[smem:$0x3FA8] =	sst s0  }
0x9: {  	[smem:$0x3FA9] =	sst s1  }
0xa: {  	[smem:$0x3FAA] =	sst s2  }
0xb: {  	[smem:$0x3FAB] =	sst s3  }
0xc: {  	[smem:$0x3FAC] =	sst s4  }
0xd: {  	[smem:$0x3FAD] =	sst s5  }
0xe: {  	[smem:$0x3FAE] =	sst s6  }
0xf: {  	[smem:$0x3FAF] =	sst s7  }
0x10: {  	[smem:$0x3FB0] =	sst s8  }
0x11: {  	[smem:$0x3FB1] =	sst s9;
	s0 =	simm.s32 @!p0 $0x0  }
0x12: {  	s1 =	sld [smem:$0x3F97];
	s0 =	simm.s32 @p0 $0x1  }
0x13: {  	[smem:$0x3FB2] =	sst s0;
	s0 =	simm.s32 @!p1 $0x0  }
0x14: {  	s2 =	sld [smem:$0x3F96];
	s0 =	simm.s32 @p1 $0x1  }
0x15: {  	[smem:$0x3FB3] =	sst s0;
	s0 =	simm.s32 @!p2 $0x0  }
0x16: {  	s3 =	sld [smem:$0x3FDB];
	s0 =	simm.s32 @p2 $0x1  }
0x17: {  	s4 =	simm.s32 $0x1BF5;
	[smem:$0x3FB5] =	sst s0  }
0x18: {  	s0 =	sld [smem:$0x3F98];
	_ =	swait.ge [sflag:s4], $0x0  }
0x19: {  	s7 =	sld [smem:$0x3F99]  }
0x1a: {  	s8 =	sadd.s32 $0xFFFFE003, lr  }
0x1b: {  	s9 =	sadd.s32 $0xFFFFFEF7, lr;
	s5 =	simm.s32 $0xFFFFFFFF;
	p2 =	slt.u32 s8, $0xFFFFF086  }
0x1c: {  	p1 =	slt.u32 s9, $0xF7A;
	s5 =	simm.s32 @!p2 $0x0  }
0x1d: {  	s5 =	simm.s32 @p1 $0x1;
	p0 =	seq.s32 s7, s2  }
0x1e: {  	s7 =	smul.u32 @!p0 $0xF7A, s2;
	p2 =	seq.s32 @!p0 s5, $0x0  }
0x1f: {  	s9 =	smul.u32 $0xF7A, s1;
	s8 =	simm.s32 @!p0 $0x1BF5;
	p2 =	por !p2, p0  }
0x20: {  	[sflag:s8] =	ssyncset.s32 @!p0 $0xFFFFF086;
	s6 =	sadd.s32 @!p0 s3, s7;
	s7 =	simm.s32 @!p0 $0x108  }
0x21: {  	s3 =	sadd.s32 s3, s9;
	s6 =	sadd.s32 @!p0 $0x88, s6;
	s7 =	simm.s32 @p2 $0x1082  }
0x22: {  	[simem:s7], [sflag:s8] =	dma.local @!p0 [hbm:s6], $0xF7A  }
0x23: {  	s9 =	sor.u32 $0xD0000000, s2;
	s6 =	simm.s32 $0x108;
	_ =	swait.ge @!p0 [sflag:s8], $0x0  }
0x24: {  	s3 =	sadd.s32 $0x88, s3;
	s6 =	simm.s32 @!p1 $0x1082;
	[sflag:s4] =	ssyncset.s32 $0xFFFFF086  }
0x25: {  	[simem:s6], [sflag:s4] =	dma.local [hbm:s3], $0xF7A  }
0x26: {  	[smem:$0x3F99] =	sst s1;
	(tag) =	ssettag s2;
	_ =	strace s9  }
0x27: {  	s1 =	sld [smem:$0x3FA9]  }
0x28: {  	s2 =	sld [smem:$0x3FAA]  }
0x29: {  	s4 =	sld [smem:$0x3FAC]  }
0x2a: {  	p0 =	seq.s32 s5, $0x0;
	s5 =	sld [smem:$0x3FAD]  }
0x2b: {  	s6 =	sld [smem:$0x3FAE]  }
0x2c: {  	s7 =	sld [smem:$0x3FAF]  }
0x2d: {  	s3 =	simm.s32 $0x108;
	s8 =	sld [smem:$0x3FB0]  }
0x2e: {  	s3 =	simm.s32 @!p0 $0x1082;
	s9 =	sld [smem:$0x3FB1]  }
0x2f: {  	lr =	sadd.s32 s0, s3;
	s0 =	sld [smem:$0x3FA8]  }
0x30: {  	s3 =	sld [smem:$0x3FAB]  }
0x31: {  	[smem:$0x3FB4] =	sst s10  }
0x32: {  	s10 =	sld [smem:$0x3FB2];
	_ =	sdelay $0x3  }
0x33: {  	p0 =	seq.s32 s10, $0x1;
	s10 =	sld [smem:$0x3FB4];
	_ =	sdelay $0x3  }
0x34: {  	[smem:$0x3FB4] =	sst s10  }
0x35: {  	s10 =	sld [smem:$0x3FB3];
	_ =	sdelay $0x3  }
0x36: {  	p1 =	seq.s32 s10, $0x1;
	s10 =	sld [smem:$0x3FB4];
	_ =	sdelay $0x3  }
0x37: {  	[smem:$0x3FB4] =	sst s10  }
0x38: {  	s10 =	sld [smem:$0x3FB5]  }
0x39: {  	_ = 	snop;
	(pc) =	sbr.ind lr, $3  }
0x3a: {  	_ = 	snop  }
0x3b: {  	_ = 	snop  }
0x3c: {  	p2 =	seq.s32 s10, $0x1;
	s10 =	sld [smem:$0x3FB4]  }
0x3d: {  	_ =	shalt  }
0x3e: {  	_ =	shalt  }
0x3f: {  	_ =	shalt  }
0x40: {  	_ =	shalt  }
0x41: {  	_ =	shalt  }
0x42: {  	_ =	shalt  }
0x43: {  	_ =	shalt  }
0x44: {  	_ =	shalt  }
0x45: {  	_ =	shalt  }
0x46: {  	_ =	shalt  }
0x47: {  	_ =	shalt  }
0x48: {  	_ =	shalt  }
0x49: {  	_ =	shalt  }
0x4a: {  	_ =	shalt  }
0x4b: {  	_ =	shalt  }
0x4c: {  	_ =	shalt  }
0x4d: {  	_ =	shalt  }
0x4e: {  	_ =	shalt  }
0x4f: {  	_ =	shalt  }
0x50: {  	_ =	shalt  }
0x51: {  	_ =	shalt  }
0x52: {  	_ =	shalt  }
0x53: {  	_ =	shalt  }
0x54: {  	_ =	shalt  }
0x55: {  	_ =	shalt  }
0x56: {  	_ =	shalt  }
0x57: {  	_ =	shalt  }
0x58: {  	_ =	shalt  }
0x59: {  	_ =	shalt  }
0x5a: {  	_ =	shalt  }
0x5b: {  	_ =	shalt  }
0x5c: {  	_ =	shalt  }
0x5d: {  	_ =	shalt  }
0x5e: {  	_ =	shalt  }
0x5f: {  	_ =	shalt  }
0x60: {  	_ =	shalt  }
0x61: {  	_ =	shalt  }
0x62: {  	_ =	shalt  }
0x63: {  	_ =	shalt  }
0x64: {  	_ =	shalt  }
0x65: {  	_ =	shalt  }
0x66: {  	_ =	shalt  }
0x67: {  	_ =	shalt  }
0x68: {  	_ =	shalt  }
0x69: {  	_ =	shalt  }
0x6a: {  	_ =	shalt  }
0x6b: {  	_ =	shalt  }
0x6c: {  	_ =	shalt  }
0x6d: {  	_ =	shalt  }
0x6e: {  	_ =	shalt  }
0x6f: {  	_ =	shalt  }
0x70: {  	_ =	shalt  }
0x71: {  	_ =	shalt  }
0x72: {  	_ =	shalt  }
0x73: {  	_ =	shalt  }
0x74: {  	_ =	shalt  }
0x75: {  	_ =	shalt  }
0x76: {  	_ =	shalt  }
0x77: {  	_ =	shalt  }
0x78: {  	_ =	shalt  }
0x79: {  	_ =	shalt  }
0x7a: {  	_ =	shalt  }
0x7b: {  	_ =	shalt  }
0x7c: {  	_ =	shalt  }
0x7d: {  	_ =	shalt  }
0x7e: {  	_ =	shalt  }
0x7f: {  	_ =	shalt  }
0x80: {  	_ =	shalt  }
0x81: {  	_ =	shalt  }
0x82: {  	_ =	shalt  }
0x83: {  	_ =	shalt  }
0x84: {  	_ =	shalt  }
0x85: {  	_ =	shalt  }
0x86: {  	_ =	shalt  }
0x87: {  	_ =	shalt  }
.Lfunc_end0:
.L_simem_size_0:
called_computation.3_lowered:
.L_overlay_start_0:
0x88: {  	s2 =	sld [smem:$0x3FD9]  }
0x89: {  	s3 =	sld [smem:$0x3FFE];
	_ =	sdelay $0x1  }
0x8a: {  	s1 =	srdreg.scid  }
0x8b: {  	s0 =	sand.u32 $0x1, s1  }
0x8c: {  	s16 =	sshll.u32 s0, $0xA;
	s2 =	sadd.s32 s3, s2  }
0x8d: {  	s2 =	sadd.s32 s2, s16  }
0x8e: {  	[smem:$0x3FC0] =	sst s2  }
0x8f: {  	_ = 	snop  }
0x90: {  	(tm) =	ssettm $0x1  }
0x91: {  	s17 =	sld [smem:$0x3FFB];
	_ =	sdelay $0x3  }
0x92: {  	_ =	strace s17  }
0x93: {  	s2 =	sld [smem:$0x3FFC];
	_ =	sdelay $0x3  }
0x94: {  	_ =	strace s2  }
0x95: {  	s2 =	sld [smem:$0x3FFD];
	_ =	sdelay $0x3  }
0x96: {  	_ =	strace s2  }
0x97: {  	_ =	strace $0x8FFFFFFF  }
0x98: {  	s18 =	sld [smem:$0x3FDB];
	_ =	sdelay $0x1  }
0x99: {  	s19 =	simm.s32 $_scs_section_size  }
0x9a: {  	s4 =	simm.s32 $_size__tile_overlayer_lowered;
	s5 =	simm.s32 $_tile_overlayer_lowered  }
0x9b: {  	s22 =	simm.s32 $0x1BFF;
	s21 =	sshll.u32 s5, $0x1;
	s2 =	sadd.s32 s19, s18  }
0x9c: {  	s6 =	simm.s32 $0x0;
	s20 =	sshll.u32 s4, $0x1;
	s4 =	sadd.s32 s21, s2  }
0x9d: {  	[timem:s6], [sflag:s22] =	dma.local [hbm:s4], s20  }
0x9e: {  	_ =	swait.ge [sflag:s22], s20  }
0x9f: {  	s3 =	ssub.s32 $0x0, s20;
	[sflag:s22] =	ssyncset.done $0x0  }
0xa0: {  	[sflag:s22] =	ssyncadd.s32 s3;
	_ =	sdelay $0x1  }
0xa1: {  	s23 =	simm.s32 $0x1B8B  }
0xa2: {  	_ =	swait.ge [sflag:s23], $0x1  }
0xa3: {  	[sflag:s23] =	ssyncset.done $0x0  }
0xa4: {  	s25 =	simm.s32 $0x1B8E;
	s24 =	sld [smem:$0x3FFE];
	[sflag:s23] =	ssyncadd.s32 $0xFFFFFFFF  }
0xa5: {  	s26 =	simm.s32 $execute0_lowered;
	[smem:$0x3FD2] =	sst s25  }
0xa6: {  	s4 =	sshll.u32 s26, $0x1;
	_ =	strace $0x8000004F;
	[dreg:$0x1] =	wrdreg $0xFFFFFFFF  }
0xa7: {  	s28 =	simm.s32 $_size_execute0_lowered;
	s2 =	sadd.s32 s2, s4;
	[dreg:$0x0] =	wrdreg $0x0  }
0xa8: {  	s4 =	sshll.u32 s28, $0x1;
	[dreg:$0x2] =	wrdreg s2  }
0xa9: {  	[dreg:$0x3] =	wrdreg s4  }
0xaa: {  	[dreg:$0x4] =	wrdreg $0xC0  }
0xab: {  	_ =	task [dreg:s6], $0x5FFFF  }
0xac: {  	[dreg:$0x1] =	wrdreg $0xFFFFFFFF  }
0xad: {  	[dreg:$0x0] =	wrdreg $0x60  }
0xae: {  	[dreg:$0x2] =	wrdreg s24  }
0xaf: {  	[dreg:$0x3] =	wrdreg $0x180000  }
0xb0: {  	[dreg:$0x4] =	wrdreg $0x9  }
0xb1: {  	_ =	task.clear_ibuf [dreg:s6], $0x5FFFF;
	_ =	strace $0x9000004F  }
0xb2: {  	s29 =	simm.s32 $0x9;
	_ =	strace $0x80000051  }
0xb3: {  	_ =	swait.ge [sflag:s29], $0x1  }
0xb4: {  	[sflag:s29] =	ssyncadd.s32 $0xFFFFFFFF  }
0xb5: {  	_ =	strace $0x90000051  }
0xb6: {  	_ =	sfence  }
0xb7: {  	s30 =	sld [smem:$0x0];
	_ =	sdelay $0x2  }
0xb8: {  	s31 =	sshll.u32 s1, $0xD;
	s1 =	sshrl.u32 s1, $0x2  }
0xb9: {  	s3 =	sand.u32 $0x4000, s31;
	s1 =	sadd.s32 s1, s30  }
0xba: {  	s0 =	sor.u32 s3, s0;
	s1 =	sshll.u32 s1, $0x11  }
0xbb: {  	s0 =	sor.u32 s1, s0  }
0xbc: {  	s0 =	sadd.s32 $0x8F2B, s0  }
0xbd: {  	[sflag:s0] =	ssyncadd.remote.s32 $0x1  }
0xbe: {  	_ =	sfence.sel $0xFFFF  }
0xbf: {  	[dreg:$0x0] =	wrdreg $0xFFFFFFFF;
	(pc) =	sbr.abs _section_cstart, $3  }
0xc0: {  	[dreg:$0x1] =	wrdreg $0xFFFFFFFF  }
0xc1: {  	_ =	task.clear_ibuf [dreg:s6], $0x2FFFF;
	_ =	strace $0x9FFFFFFF  }
0xc2: {  	(tm) =	ssettm $0x7FFFFFFF  }
0xc3: {  	_ =	shalt  }
tec
execute0_lowered:
.L_overlay_start_1:
0x0: {  	(tag) =	ssettag $0x1  }
0x1: {  	s5 =	rddreg [dreg:$0x0]  }
0x2: {  	s2 =	rddreg [dreg:$0x1]  }
0x3: {  	s0 =	rddreg [dreg:$0x2]  }
0x4: {  	s1 =	stileid.u32;
	s4 =	srdreg.scid;
	s3 =	simm.s32 $0x0  }
0x5: {  	s14 =	simm.s32 $0xE000;
	s15 =	simm.s32 $0x80;
	s6 =	smul.u32 $0x5000, s1  }
0x6: {  	s16 =	simm.s32 $0xA000;
	s17 =	simm.s32 $0x1;
	s8 =	smul.u32 $0xA0, s1  }
0x7: {  	s18 =	simm.s32 $0x13000;
	s7 =	sand.u32 $0x1, s4;
	s28 =	smul.u32 $0x14000, s1  }
0x8: {  	s19 =	simm.s32 $0x0;
	[smem:$0x7FF] =	sst s3;
	s4 =	smul.u32 $0x50000, s7  }
0x9: {  	_ =	strace $0x80000050;
	s10 =	smul.u32 $0xA00, s7;
	s7 =	ssub.s32 $0x2, s7  }
0xa: {  	s9 =	sshrl.u32 s6, $0x3;
	s30 =	sshrl.u32 s7, $0x1;
	s31 =	sshrl.u32 s28, $0x2  }
0xb: {  	s6 =	sadd.s32 s6, s4;
	s4 =	sadd.s32 $0x36600, s5;
	s9 =	sadd.s32 s9, s5  }
0xc: {  	s8 =	sadd.s32 s8, s10;
	s13 =	ssub.s32 s7, s30;
	s6 =	sshrl.u32 s6, $0x3  }
0xd: {  	s7 =	sadd.s32 s31, s2;
	s29 =	sshll.u32 s8, $0x4;
	s11 =	sadd.s32 s6, s5  }
0xe: {  	s12 =	sadd.s32 s29, s5;
	s5 =	sadd.s32 $0x4600, s9;
	s6 =	sadd.s32 $0xE600, s11  }
0xf: {  	s8 =	sadd.s32 $0x5E600, s12;
	s9 =	sadd.s32 $0x22600, s11;
	s10 =	sadd.s32 $0x72600, s12  }
0x10: {  	v0 =	vimm.f32 $0.0e+00;
	s11 =	smax.u32 s13, $0x1;
	s12 =	simm.s32 $0x2;
	s13 =	simm.s32 $0x5000  }
.LBB2_1:
0x11: {  	s20 =	simm.s32 $0x70;
	s21 =	simm.s32 $0x3C0  }
.LBB2_2:
0x12: {  	p0 =	sne.s32 s21, $0x13FC0;
	[tilespmem:s20+$0xE000] =	vst v0  }
0x13: {  	[tilespmem:s20+$0xDF90] =	vst v0  }
0x14: {  	[tilespmem:s20+$0xDFA0] =	vst v0  }
.Ltmp0:
0x15: {  	[tilespmem:s20+$0xDFB0] =	vst v0;
	(pc) =	sbr.rel @p0 .LBB2_2-.Ltmp0, $4  }
0x16: {  	[tilespmem:s20+$0xDFC0] =	vst v0  }
0x17: {  	[tilespmem:s20+$0xDFD0] =	vst v0  }
0x18: {  	[tilespmem:s20+$0xDFE0] =	vst v0  }
0x19: {  	[tilespmem:s20+$0xDFF0] =	vst v0;
	s20 =	sshra.s32 s21, $0x2;
	s21 =	sadd.s32 $0x200, s21  }
0x1a: {  	[tilespmem:s20+$0xE000] =	vst v0  }
0x1b: {  	[tilespmem:s20+$0xDF90] =	vst v0  }
0x1c: {  	[tilespmem:s20+$0xDFA0] =	vst v0  }
0x1d: {  	[tilespmem:s20+$0xDFB0] =	vst v0  }
0x1e: {  	[tilespmem:s20+$0xDFC0] =	vst v0  }
0x1f: {  	[tilespmem:s20+$0xDFD0] =	vst v0  }
0x20: {  	[tilespmem:s20+$0xDFE0] =	vst v0  }
0x21: {  	[tilespmem:s20+$0xDFF0] =	vst v0;
	s29 =	simm.s32 $0x0  }
0x22: {  	[tilespmem:s29], [sflag:$0x2] =	stream.linear.gather [hbm4b:s5+s29], $0x5000, $0x38;
	[tilespmem:$0x1D400] =	vst v63  }
0x23: {  	_ =	swait.ge [sflag:s12], $0x5000  }
0x24: {  	[sflag:s12] =	ssyncset.done $0x0  }
0x25: {  	[sflag:s12] =	ssyncadd.s32 $0xFFFFB000  }
0x26: {  	[tilespmem:s13], [sflag:$0x2] =	stream.linear.gather [hbm4b:s6+s29], $0x5000, $0x38;
	[tilespmem:$0x1D400] =	vst v63  }
0x27: {  	_ =	swait.ge [sflag:s12], $0x5000  }
0x28: {  	[sflag:s12] =	ssyncset.done $0x0  }
0x29: {  	[sflag:s12] =	ssyncadd.s32 $0xFFFFB000  }
0x2a: {  	[spmem:s7] =	stream.linear.scatter [tilespmem:s14], [sflag:$0x2], $0x5000, $0x38;
	[tilespmem:$0x1D400] =	vst v63  }
0x2b: {  	_ =	swait.ge [sflag:s12], $0x5000  }
0x2c: {  	[sflag:s12] =	ssyncset.done $0x0  }
0x2d: {  	[sflag:s12] =	ssyncadd.s32 $0xFFFFB000  }
0x2e: {  	s30 =	simm.s32 $0x0;
	[bflag:$0x0] =	sbarrier.arrive $0xFFFF  }
0x2f: {  	[tilespmem:s16], [sflag:$0x1] =	stream.indirect.gather [hbm4b:s4+s15], $0x80, s30, s15, $0xb8;
	[tilespmem:$0x1D400] =	vst v63  }
0x30: {  	_ =	swait.ge [sflag:s17], $0x4000  }
0x31: {  	[sflag:s17] =	ssyncset.done $0x0  }
0x32: {  	s31 =	simm.s32 $0x5000;
	[sflag:s17] =	ssyncadd.s32 $0xFFFFC000  }
0x33: {  	[spmem:s2] =	stream.indirect.scatter.add.f32 [tilespmem:s16], [sflag:$0x2], $0x80, s31, s15, $0xb8;
	[tilespmem:$0x1D400] =	vst v63  }
0x34: {  	_ =	swait.ge [sflag:s12], $0x4000  }
0x35: {  	s20 =	simm.s32 $0x200;
	s21 =	simm.s32 $0x400;
	[sflag:s12] =	ssyncset.done $0x0  }
.LBB2_4:
0x36: {  	s22 =	sshra.s32 s20, $0x2  }
0x37: {  	[sflag:s12] =	ssyncadd.s32 $0xFFFFC000;
	s20 =	smov.u32 s21;
	s23 =	sadd.s32 $0x200, s21  }
0x38: {  	[tilespmem:s16], [sflag:$0x1] =	stream.indirect.gather [hbm4b:s4+s15], $0x80, s22, s15, $0xb8;
	[tilespmem:$0x1D400] =	vst v63  }
0x39: {  	p0 =	sne.s32 s21, $0x13E00;
	_ =	swait.ge [sflag:s17], $0x4000  }
.Ltmp1:
0x3a: {  	[sflag:s17] =	ssyncset.done $0x0;
	(pc) =	sbr.rel @p0 .LBB2_4-.Ltmp1, $4  }
0x3b: {  	s21 =	sadd.s32 $0x5000, s22;
	[sflag:s17] =	ssyncadd.s32 $0xFFFFC000  }
0x3c: {  	[spmem:s2] =	stream.indirect.scatter.add.f32 [tilespmem:s16], [sflag:$0x2], $0x80, s21, s15, $0xb8;
	[tilespmem:$0x1D400] =	vst v63  }
0x3d: {  	_ =	swait.ge [sflag:s12], $0x4000  }
0x3e: {  	s21 =	smov.u32 s23;
	[sflag:s12] =	ssyncset.done $0x0  }
0x3f: {  	s20 =	sshra.s32 s20, $0x2;
	[sflag:s12] =	ssyncadd.s32 $0xFFFFC000  }
0x40: {  	[tilespmem:s16], [sflag:$0x1] =	stream.indirect.gather [hbm4b:s4+s15], $0x80, s20, s15, $0xb8;
	[tilespmem:$0x1D400] =	vst v63  }
0x41: {  	_ =	swait.ge [sflag:s17], $0x4000  }
0x42: {  	[sflag:s17] =	ssyncset.done $0x0  }
0x43: {  	s20 =	sadd.s32 $0x5000, s20;
	[sflag:s17] =	ssyncadd.s32 $0xFFFFC000  }
0x44: {  	[spmem:s2] =	stream.indirect.scatter.add.f32 [tilespmem:s16], [sflag:$0x2], $0x80, s20, s15, $0xb8;
	[tilespmem:$0x1D400] =	vst v63  }
0x45: {  	_ =	swait.ge [sflag:s12], $0x4000  }
0x46: {  	[sflag:s12] =	ssyncset.done $0x0  }
0x47: {  	[sflag:s12] =	ssyncadd.s32 $0xFFFFC000  }
0x48: {  	[bflag:$0x0] =	sbarrier.arrive $0xFFFF  }
0x49: {  	[tilespmem:s18], [sflag:$0x2] =	stream.linear.gather [spmem:s7], $0x5000, $0x38;
	[tilespmem:$0x1D400] =	vst v63  }
0x4a: {  	_ =	swait.ge [sflag:s12], $0x5000  }
0x4b: {  	[sflag:s12] =	ssyncset.done $0x0  }
0x4c: {  	s29 =	simm.s32 $0x0;
	[sflag:s12] =	ssyncadd.s32 $0xFFFFB000  }
0x4d: {  	[hbm4b:s8+s29] =	stream.linear.scatter [tilespmem:s18], [sflag:$0x2], $0x5000, $0x38;
	[tilespmem:$0x1D400] =	vst v63  }
0x4e: {  	_ =	swait.ge [sflag:s12], $0x5000  }
0x4f: {  	[sflag:s12] =	ssyncset.done $0x0  }
0x50: {  	[sflag:s12] =	ssyncadd.s32 $0xFFFFB000  }
0x51: {  	[bflag:$0x0] =	sbarrier.arrive $0xFFFF  }
0x52: {  	[tilespmem:s13], [sflag:$0x2] =	stream.linear.gather [hbm4b:s9+s29], $0x5000, $0x38;
	[tilespmem:$0x1D400] =	vst v63  }
0x53: {  	_ =	swait.ge [sflag:s12], $0x5000  }
0x54: {  	[sflag:s12] =	ssyncset.done $0x0  }
0x55: {  	[sflag:s12] =	ssyncadd.s32 $0xFFFFB000  }
0x56: {  	[spmem:s7] =	stream.linear.scatter [tilespmem:s14], [sflag:$0x2], $0x5000, $0x38;
	[tilespmem:$0x1D400] =	vst v63  }
0x57: {  	_ =	swait.ge [sflag:s12], $0x5000  }
0x58: {  	[sflag:s12] =	ssyncset.done $0x0  }
0x59: {  	[sflag:s12] =	ssyncadd.s32 $0xFFFFB000  }
0x5a: {  	s30 =	simm.s32 $0x0;
	[bflag:$0x0] =	sbarrier.arrive $0xFFFF  }
0x5b: {  	[tilespmem:s16], [sflag:$0x1] =	stream.indirect.gather [hbm4b:s4+s15], $0x80, s30, s15, $0xb8;
	[tilespmem:$0x1D400] =	vst v63  }
0x5c: {  	_ =	swait.ge [sflag:s17], $0x4000  }
0x5d: {  	[sflag:s17] =	ssyncset.done $0x0  }
0x5e: {  	s31 =	simm.s32 $0x5000;
	[sflag:s17] =	ssyncadd.s32 $0xFFFFC000  }
0x5f: {  	[spmem:s2] =	stream.indirect.scatter.add.f32 [tilespmem:s16], [sflag:$0x2], $0x80, s31, s15, $0xb8;
	[tilespmem:$0x1D400] =	vst v63  }
0x60: {  	_ =	swait.ge [sflag:s12], $0x4000  }
0x61: {  	s21 =	simm.s32 $0x400;
	s20 =	simm.s32 $0x200;
	[sflag:s12] =	ssyncset.done $0x0  }
.LBB2_6:
0x62: {  	s22 =	sshra.s32 s20, $0x2  }
0x63: {  	[sflag:s12] =	ssyncadd.s32 $0xFFFFC000;
	s20 =	smov.u32 s21;
	s23 =	sadd.s32 $0x200, s21  }
0x64: {  	[tilespmem:s16], [sflag:$0x1] =	stream.indirect.gather [hbm4b:s4+s15], $0x80, s22, s15, $0xb8;
	[tilespmem:$0x1D400] =	vst v63  }
0x65: {  	p0 =	sne.s32 s21, $0x13E00;
	_ =	swait.ge [sflag:s17], $0x4000  }
.Ltmp2:
0x66: {  	[sflag:s17] =	ssyncset.done $0x0;
	(pc) =	sbr.rel @p0 .LBB2_6-.Ltmp2, $4  }
0x67: {  	s21 =	sadd.s32 $0x5000, s22;
	[sflag:s17] =	ssyncadd.s32 $0xFFFFC000  }
0x68: {  	[spmem:s2] =	stream.indirect.scatter.add.f32 [tilespmem:s16], [sflag:$0x2], $0x80, s21, s15, $0xb8;
	[tilespmem:$0x1D400] =	vst v63  }
0x69: {  	_ =	swait.ge [sflag:s12], $0x4000  }
0x6a: {  	s21 =	smov.u32 s23;
	[sflag:s12] =	ssyncset.done $0x0  }
0x6b: {  	s20 =	sshra.s32 s20, $0x2;
	[sflag:s12] =	ssyncadd.s32 $0xFFFFC000  }
0x6c: {  	[tilespmem:s16], [sflag:$0x1] =	stream.indirect.gather [hbm4b:s4+s15], $0x80, s20, s15, $0xb8;
	[tilespmem:$0x1D400] =	vst v63  }
0x6d: {  	_ =	swait.ge [sflag:s17], $0x4000  }
0x6e: {  	[sflag:s17] =	ssyncset.done $0x0  }
0x6f: {  	s20 =	sadd.s32 $0x5000, s20;
	[sflag:s17] =	ssyncadd.s32 $0xFFFFC000  }
0x70: {  	[spmem:s2] =	stream.indirect.scatter.add.f32 [tilespmem:s16], [sflag:$0x2], $0x80, s20, s15, $0xb8;
	[tilespmem:$0x1D400] =	vst v63  }
0x71: {  	_ =	swait.ge [sflag:s12], $0x4000  }
0x72: {  	[sflag:s12] =	ssyncset.done $0x0  }
0x73: {  	[sflag:s12] =	ssyncadd.s32 $0xFFFFC000  }
0x74: {  	[bflag:$0x0] =	sbarrier.arrive $0xFFFF  }
0x75: {  	[tilespmem:s18], [sflag:$0x2] =	stream.linear.gather [spmem:s7], $0x5000, $0x38;
	[tilespmem:$0x1D400] =	vst v63  }
0x76: {  	_ =	swait.ge [sflag:s12], $0x5000  }
0x77: {  	s19 =	sadd.s32 $0x1, s19;
	[sflag:s12] =	ssyncset.done $0x0  }
0x78: {  	p0 =	sne.s32 s19, s11;
	[sflag:s12] =	ssyncadd.s32 $0xFFFFB000  }
0x79: {  	[hbm4b:s10+s3] =	stream.linear.scatter [tilespmem:s18], [sflag:$0x2], $0x5000, $0x38;
	[tilespmem:$0x1D400] =	vst v63  }
.Ltmp3:
0x7a: {  	_ =	swait.ge [sflag:s12], $0x5000;
	(pc) =	sbr.rel @p0 .LBB2_1-.Ltmp3, $3  }
0x7b: {  	[sflag:s12] =	ssyncset.done $0x0  }
0x7c: {  	[sflag:s12] =	ssyncadd.s32 $0xFFFFB000  }
0x7d: {  	[bflag:$0x0] =	sbarrier.arrive $0xFFFF;
	_ =	sdelay $0x1  }
0x7e: {  	_ =	sfence.sel $0x180000  }
0x7f: {  	[bflag:$0x0] =	sbarrier.arrive $0xFFFF  }
0x80: {  	p0 =	sne.s32 s1, $0x0;
	_ =	strace $0x90000050  }
0x81: {  	s0 =	sadd.s32 @!p0 $0x100000, s0;
	[bflag:$0x2] =	sbarrier.arrive $0xFFFF  }
0x82: {  	[sflag:s0] =	ssyncadd.tile.s32 @!p0 $0x1;
	_ =	shalt  }
.Lfunc_end2:
_tile_overlayer_lowered:
.L_overlay_start_2:
0x83: {  	(tag) =	ssettag $0x2  }
0x84: {  	s0 =	rddreg [dreg:$0x0];
	s2 =	stileid.u32  }
0x85: {  	s1 =	rddreg [dreg:$0x1];
	p0 =	sne.s32 s2, $0x0  }
0x86: {  	s3 =	rddreg [dreg:$0x2];
	[bflag:$0x3] =	sbarrier.arrive $0xFFFF;
	s2 =	simm.s32 @!p0 $0x1C02  }
0x87: {  	[timem:s3], [sflag:s2] =	dma.local @!p0 [hbm:s0], s1  }
0x88: {  	s0 =	simm.s32 @!p0 $0x2  }
0x89: {  	_ =	swait.ge @!p0 [sflag:s0], s1  }
0x8a: {  	s1 =	ssub.s32 @!p0 $0x0, s1;
	[sflag:s0] =	ssyncset.done @!p0 $0x0  }
0x8b: {  	[sflag:s0] =	ssyncadd.s32 @!p0 s1  }
0x8c: {  	[bflag:$0x3] =	sbarrier.arrive $0xFFFF  }
0x8d: {  	_ =	shalt  }

</sc_bundles>
